<compile_context>
chip_gen: v7x
topology: tpu7x:2x2x1
jax: 0.10.2.dev20260603
libtpu: 0.0.44.dev20260713+nightly
codegen_flags: <defaults>
</compile_context>

<pallas_src>
import functools

import jax
import jax.numpy as jnp
from jax import lax
from jax.experimental import pallas as pl
from jax.experimental.pallas import tpu as pltpu
from jax.experimental.pallas import tpu_sc as plsc

NC, NS = 2, 16
NW = NC * NS
B = 16384
EMB = 64
CAT = 2 * EMB
BPW = B // NW
G = 128
HALF = 256
LAYER = 128
BLK = 1024
SMALL = 32


N_ROWS = 100000
TR_C = 4096



def _tr_body(tum, tuf, tim, tif, eye, ou, oi):
    f32 = jnp.float32
    dn = (((0,), (0,)), ((), ()))
    e = eye[...]
    ou[...] = jnp.concatenate(
        [lax.dot_general(tum[...], e, dn, preferred_element_type=f32),
         lax.dot_general(tuf[...], e, dn, preferred_element_type=f32)], axis=1)
    oi[...] = jnp.concatenate(
        [lax.dot_general(tim[...], e, dn, preferred_element_type=f32),
         lax.dot_general(tif[...], e, dn, preferred_element_type=f32)], axis=1)


def _transpose_concat(tt_um, tt_uf, tt_im, tt_if):
    nblk = pl.cdiv(N_ROWS, TR_C)
    col = pl.BlockSpec((EMB, TR_C), lambda i: (0, i))
    out = jax.ShapeDtypeStruct((N_ROWS, CAT), jnp.float32)
    return pl.pallas_call(
        _tr_body,
        grid=(nblk,),
        in_specs=[col, col, col, col,
                  pl.BlockSpec((EMB, EMB), lambda i: (0, 0))],
        out_specs=(pl.BlockSpec((TR_C, CAT), lambda i: (i, 0)),
                   pl.BlockSpec((TR_C, CAT), lambda i: (i, 0))),
        out_shape=(out, out),
    )(tt_um, tt_uf, tt_im, tt_if, jnp.eye(EMB, dtype=jnp.float32))



def _sc_gather(tab_u, tab_i, uidx, iidx):
    mesh = plsc.VectorSubcoreMesh(
        core_axis_name="c", subcore_axis_name="s",
        num_cores=NC, num_subcores=NS)
    out = jax.ShapeDtypeStruct((B, CAT), jnp.float32)

    @functools.partial(
        pl.kernel,
        out_type=(out, out),
        mesh=mesh,
        scratch_types=[
            pltpu.VMEM((BPW,), jnp.int32),
            pltpu.VMEM((BPW,), jnp.int32),
            pltpu.VMEM((HALF, CAT), jnp.float32),
            pltpu.VMEM((HALF, CAT), jnp.float32),
            pltpu.SemaphoreType.DMA,
        ],
        compiler_params=pltpu.CompilerParams(use_tc_tiling_on_sc=True),
    )
    def k(tu, ti, uix_hbm, iix_hbm, ou, oi, uv, iv, bu, bi, sem):
        wid = lax.axis_index("s") * NC + lax.axis_index("c")
        base = wid * BPW
        pltpu.sync_copy(uix_hbm.at[pl.ds(base, BPW)], uv)
        pltpu.sync_copy(iix_hbm.at[pl.ds(base, BPW)], iv)
        for h in range(BPW // HALF):
            waits = []
            for j in range(HALF // G):
                o = h * HALF + j * G
                waits.append(pltpu.async_copy(
                    tu.at[uv.at[pl.ds(o, G)]], bu.at[pl.ds(j * G, G)], sem))
                waits.append(pltpu.async_copy(
                    ti.at[iv.at[pl.ds(o, G)]], bi.at[pl.ds(j * G, G)], sem))
            for w in waits:
                w.wait()
            pltpu.sync_copy(bu, ou.at[pl.ds(base + h * HALF, HALF)])
            pltpu.sync_copy(bi, oi.at[pl.ds(base + h * HALF, HALF)])

    return k(tab_u, tab_i, uidx, iidx)



def _mlp_body(ru, ri, xs, cidx, c_pad, w1s_t, wu_t, wi_t, wf_t,
              b1, w2_t, b2, wo_h, wo_mf, b_out, out_ref):
    f32 = jnp.float32
    u = ru[...]
    i = ri[...]
    h = (jnp.dot(u, wu_t[...], preferred_element_type=f32)
         + jnp.dot(i, wi_t[...], preferred_element_type=f32)
         + jnp.dot(xs[...], wf_t[...], preferred_element_type=f32)
         + b1[...])
    iota = lax.broadcasted_iota(jnp.int32, (BLK, SMALL), 1)
    ci = cidx[...]
    mh = ((iota == ci[:, 0][:, None]).astype(f32)
          + (iota == ci[:, 1][:, None]).astype(f32)
          + (iota == ci[:, 2][:, None]).astype(f32))
    d = jnp.dot(c_pad[...], w1s_t[...], preferred_element_type=f32)
    h = h + jnp.dot(mh, d, preferred_element_type=f32)
    h = jnp.maximum(h, 0.0)
    h2 = jnp.maximum(jnp.dot(h, w2_t[...], preferred_element_type=f32)
                     + b2[...], 0.0)
    out = (jnp.dot(h2, wo_h[...], preferred_element_type=f32)
           + jnp.dot(u * i, wo_mf[...], preferred_element_type=f32)
           + b_out[...])
    out_ref[...] = out


def _tc_mlp(ru, ri, xs, cidx, c_pad, w1s_t, wu_t, wi_t, wf_t,
            b1, w2_t, b2, wo_h, wo_mf, b_out):
    nblk = B // BLK
    rows = lambda shp: pl.BlockSpec((BLK,) + shp[1:], lambda i: (i,) + (0,) * (len(shp) - 1))
    full = lambda shp: pl.BlockSpec(shp, lambda i: (0,) * len(shp))
    in_specs = [
        rows((B, CAT)), rows((B, CAT)), rows((B, 8)), rows((B, 4)),
        full(c_pad.shape), full(w1s_t.shape), full(wu_t.shape),
        full(wi_t.shape), full(wf_t.shape), full(b1.shape),
        full(w2_t.shape), full(b2.shape), full(wo_h.shape),
        full(wo_mf.shape), full(b_out.shape),
    ]
    return pl.pallas_call(
        _mlp_body,
        grid=(nblk,),
        in_specs=in_specs,
        out_specs=pl.BlockSpec((BLK, 1), lambda i: (i, 0)),
        out_shape=jax.ShapeDtypeStruct((B, 1), jnp.float32),
    )(ru, ri, xs, cidx, c_pad, w1s_t, wu_t, wi_t, wf_t,
      b1, w2_t, b2, wo_h, wo_mf, b_out)



def kernel(user_indices, item_indices, feat0, feat1, feat2, feat3, feat4,
           feat5, feat6, W_user_mf, W_item_mf, W_user_mlp, W_item_mlp,
           W_genre, W_sex, W_search, W1, b1, W2, b2, W_out, b_out):
    tab_u, tab_i = _transpose_concat(
        W_user_mlp.T, W_user_mf.T, W_item_mlp.T, W_item_mf.T)
    uidx = user_indices.astype(jnp.int32)
    iidx = item_indices.astype(jnp.int32)

    ru, ri = _sc_gather(tab_u, tab_i, uidx, iidx)

    xs = jnp.stack([feat0, feat1, feat4, feat6], axis=1)
    xs = jnp.pad(xs, ((0, 0), (0, 4)))
    cidx = jnp.stack([feat3.astype(jnp.int32),
                      feat2.astype(jnp.int32) + 18,
                      feat5.astype(jnp.int32) + 20,
                      jnp.full((B,), -1, jnp.int32)], axis=1)
    c_pad = jnp.zeros((SMALL, 16), jnp.float32)
    c_pad = c_pad.at[0:18, 0:9].set(W_genre)
    c_pad = c_pad.at[18:20, 9:10].set(W_sex)
    c_pad = c_pad.at[20:30, 10:15].set(W_search)
    wu_t = jnp.pad(W1[:, 0:64].T, ((0, 64), (0, 0)))
    wi_t = jnp.pad(W1[:, 64:128].T, ((0, 64), (0, 0)))
    w1s_t = jnp.pad(W1[:, 128:143].T, ((0, 1), (0, 0)))
    wf_t = jnp.pad(W1[:, 143:147].T, ((0, 4), (0, 0)))
    w2_t = W2.T
    wo_h = W_out[0, 0:64][:, None]
    wo_mf = jnp.pad(W_out[0, 64:128][:, None], ((64, 0), (0, 0)))

    out = _tc_mlp(ru, ri, xs, cidx, c_pad, w1s_t, wu_t, wi_t,
                  wf_t, b1[None, :], w2_t, b2[None, :], wo_h, wo_mf,
                  b_out[None, :])
    return out[:, 0]

# --- scband reference (transcript-rebuilt; emitter-appended) ---
"""Pipeline reference for scband-neu-mf-71227737637281 (READ-ONLY COPY).

The authoritative reference and input builder live on the scoring server;
editing this copy changes nothing except your own understanding.
"""

import jax, jax.numpy as jnp
import numpy as np

N_USERS = 100000
N_ITEMS = 100000
EMB = 64
LAYER = 128
N_GENRES = 18
N_SEX = 2
N_SEARCH = 10
BATCH = 16384
MLP_IN = 2 * EMB + N_GENRES // 2 + N_SEX // 2 + N_SEARCH // 2 + 4  # 147


def setup_inputs(seed: int = 0) -> dict:
    key = jax.random.key(seed)
    ks = jax.random.split(key, 24)
    inp = {}
    inp["user_indices"] = jax.random.randint(ks[0], (BATCH,), 0, N_USERS)
    inp["item_indices"] = jax.random.randint(ks[1], (BATCH,), 0, N_ITEMS)
    inp["feat0"] = jax.random.normal(ks[2], (BATCH,), dtype=jnp.float32)
    inp["feat1"] = jax.random.normal(ks[3], (BATCH,), dtype=jnp.float32)
    inp["feat2"] = jax.random.randint(ks[4], (BATCH,), 0, N_SEX)
    inp["feat3"] = jax.random.randint(ks[5], (BATCH,), 0, N_GENRES)
    inp["feat4"] = jax.random.normal(ks[6], (BATCH,), dtype=jnp.float32)
    inp["feat5"] = jax.random.randint(ks[7], (BATCH,), 0, N_SEARCH)
    inp["feat6"] = jax.random.normal(ks[8], (BATCH,), dtype=jnp.float32)
    # learned parameters (std=0.01 init like the torch module)
    inp["W_user_mf"] = jax.random.normal(ks[9], (N_USERS, EMB), dtype=jnp.float32) * 0.01
    inp["W_item_mf"] = jax.random.normal(ks[10], (N_ITEMS, EMB), dtype=jnp.float32) * 0.01
    inp["W_user_mlp"] = jax.random.normal(ks[11], (N_USERS, EMB), dtype=jnp.float32) * 0.01
    inp["W_item_mlp"] = jax.random.normal(ks[12], (N_ITEMS, EMB), dtype=jnp.float32) * 0.01
    inp["W_genre"] = jax.random.normal(ks[13], (N_GENRES, N_GENRES // 2), dtype=jnp.float32) * 0.01
    inp["W_sex"] = jax.random.normal(ks[14], (N_SEX, N_SEX // 2), dtype=jnp.float32) * 0.01
    inp["W_search"] = jax.random.normal(ks[15], (N_SEARCH, N_SEARCH // 2), dtype=jnp.float32) * 0.01
    inp["W1"] = jax.random.normal(ks[16], (LAYER, MLP_IN), dtype=jnp.float32) * 0.01
    inp["b1"] = jnp.zeros((LAYER,), dtype=jnp.float32)
    inp["W2"] = jax.random.normal(ks[17], (LAYER // 2, LAYER), dtype=jnp.float32) * 0.01
    inp["b2"] = jnp.zeros((LAYER // 2,), dtype=jnp.float32)
    inp["W_out"] = jax.random.normal(ks[18], (1, LAYER // 2 + EMB), dtype=jnp.float32) * 0.01
    inp["b_out"] = jnp.zeros((1,), dtype=jnp.float32)
    return inp


def reference(user_indices, item_indices, feat0, feat1, feat2, feat3, feat4, feat5, feat6,
              W_user_mf, W_item_mf, W_user_mlp, W_item_mlp, W_genre, W_sex, W_search,
              W1, b1, W2, b2, W_out, b_out):
    u_mf = jnp.take(W_user_mf, user_indices, axis=0)
    i_mf = jnp.take(W_item_mf, item_indices, axis=0)
    mf_output = u_mf * i_mf
    u_mlp = jnp.take(W_user_mlp, user_indices, axis=0)
    i_mlp = jnp.take(W_item_mlp, item_indices, axis=0)
    g_emb = jnp.take(W_genre, feat3, axis=0)
    s_emb = jnp.take(W_sex, feat2, axis=0)
    se_emb = jnp.take(W_search, feat5, axis=0)
    input_feature = jnp.concatenate(
        (u_mlp, i_mlp, g_emb, s_emb, se_emb,
         feat0[:, None], feat1[:, None], feat4[:, None], feat6[:, None]), axis=-1)
    h = jax.nn.relu(input_feature @ W1.T + b1)
    h = jax.nn.relu(h @ W2.T + b2)
    out = jnp.concatenate([h, mf_output], axis=-1) @ W_out.T + b_out
    return out.squeeze(-1)

if __name__ == "__main__":
    import jax
    _d = setup_inputs()
    print(jax.jit(kernel)(*tuple(_d.values())))

</pallas_src>

<mosaic_0001>
#map = affine_map<(d0, d1) -> (0, 0)>
#map1 = affine_map<(d0, d1) -> (0)>
module attributes {stable_mosaic.version = 14 : i64} {
  func.func @k(%arg0: i32, %arg1: i32, %arg2: memref<100000x128xf32, #tpu.memory_space<hbm>>, %arg3: memref<100000x128xf32, #tpu.memory_space<hbm>>, %arg4: memref<16384xi32, #tpu.memory_space<hbm>>, %arg5: memref<16384xi32, #tpu.memory_space<hbm>>, %arg6: memref<16384x128xf32, #tpu.memory_space<hbm>>, %arg7: memref<16384x128xf32, #tpu.memory_space<hbm>>, %arg8: memref<512xi32, #tpu.memory_space<vmem>>, %arg9: memref<512xi32, #tpu.memory_space<vmem>>, %arg10: memref<256x128xf32, #tpu.memory_space<vmem>>, %arg11: memref<256x128xf32, #tpu.memory_space<vmem>>, %arg12: memref<!tpu.dma_semaphore, #tpu.memory_space<semaphore_mem>>) attributes {dimension_semantics = [#tpu.dimension_semantics<core_parallel>, #tpu.dimension_semantics<subcore_parallel>], iteration_bounds = array<i64: 2, 16>, scalar_prefetch = 0 : i64, scratch_operands = 5 : i64, tpu.core_type = #tpu.core_type<sc_vector_subcore>, window_params = [{transform_indices = #map}, {transform_indices = #map}, {transform_indices = #map1}, {transform_indices = #map1}, {transform_indices = #map}, {transform_indices = #map}]} {
    %mul3A = arith.constant 2 : i32
    %mul3A_0 = arith.muli %arg1, %mul3A : i32
    %add3A = arith.addi %mul3A_0, %arg0 : i32
    %mul3A_1 = arith.constant 512 : i32
    %mul3A_2 = arith.muli %add3A, %mul3A_1 : i32
    "tpu.region"() ({
      %run_scoped3A = tpu.sem_alloc : memref<!tpu.dma_semaphore, #tpu.memory_space<semaphore_mem>>
      %dma_start3A_137 = tpu.memref_slice %arg4[%mul3A_2] : memref<16384xi32, #tpu.memory_space<hbm>> -> memref<512xi32, #tpu.memory_space<hbm>>
      %dma_start3A_138 = tpu.memref_slice %arg4[%mul3A_2] : memref<16384xi32, #tpu.memory_space<hbm>> -> memref<512xi32, #tpu.memory_space<hbm>>
      tpu.enqueue_dma source(%dma_start3A_138 : memref<512xi32, #tpu.memory_space<hbm>>) target(%arg8 : memref<512xi32, #tpu.memory_space<vmem>>) target_semaphore(%run_scoped3A : memref<!tpu.dma_semaphore, #tpu.memory_space<semaphore_mem>>)
      %dma_wait3A_139 = tpu.memref_slice %arg4[%mul3A_2] : memref<16384xi32, #tpu.memory_space<hbm>> -> memref<512xi32, #tpu.memory_space<hbm>>
      %dma_wait3A_140 = tpu.memref_slice %arg4[%mul3A_2] : memref<16384xi32, #tpu.memory_space<hbm>> -> memref<512xi32, #tpu.memory_space<hbm>>
      tpu.wait_dma2 semaphore(%run_scoped3A : memref<!tpu.dma_semaphore, #tpu.memory_space<semaphore_mem>>) src(%dma_wait3A_140 : memref<512xi32, #tpu.memory_space<hbm>>) dst(%arg8 : memref<512xi32, #tpu.memory_space<vmem>>)
      tpu.yield
    }) : () -> ()
    "tpu.region"() ({
      %run_scoped3A = tpu.sem_alloc : memref<!tpu.dma_semaphore, #tpu.memory_space<semaphore_mem>>
      %dma_start3A_137 = tpu.memref_slice %arg5[%mul3A_2] : memref<16384xi32, #tpu.memory_space<hbm>> -> memref<512xi32, #tpu.memory_space<hbm>>
      %dma_start3A_138 = tpu.memref_slice %arg5[%mul3A_2] : memref<16384xi32, #tpu.memory_space<hbm>> -> memref<512xi32, #tpu.memory_space<hbm>>
      tpu.enqueue_dma source(%dma_start3A_138 : memref<512xi32, #tpu.memory_space<hbm>>) target(%arg9 : memref<512xi32, #tpu.memory_space<vmem>>) target_semaphore(%run_scoped3A : memref<!tpu.dma_semaphore, #tpu.memory_space<semaphore_mem>>)
      %dma_wait3A_139 = tpu.memref_slice %arg5[%mul3A_2] : memref<16384xi32, #tpu.memory_space<hbm>> -> memref<512xi32, #tpu.memory_space<hbm>>
      %dma_wait3A_140 = tpu.memref_slice %arg5[%mul3A_2] : memref<16384xi32, #tpu.memory_space<hbm>> -> memref<512xi32, #tpu.memory_space<hbm>>
      tpu.wait_dma2 semaphore(%run_scoped3A : memref<!tpu.dma_semaphore, #tpu.memory_space<semaphore_mem>>) src(%dma_wait3A_140 : memref<512xi32, #tpu.memory_space<hbm>>) dst(%arg9 : memref<512xi32, #tpu.memory_space<vmem>>)
      tpu.yield
    }) : () -> ()
    %dma_start3A = arith.constant 0 : i32
    %dma_start3A_3 = arith.constant 0 : i32
    %dma_start3A_4 = tpu.memref_slice %arg10[%dma_start3A, %dma_start3A_3] : memref<256x128xf32, #tpu.memory_space<vmem>> -> memref<128x128xf32, #tpu.memory_space<vmem>>
    %dma_start3A_5 = arith.constant 0 : i32
    %dma_start3A_6 = tpu.memref_slice %arg8[%dma_start3A_5] : memref<512xi32, #tpu.memory_space<vmem>> -> memref<128xi32, #tpu.memory_space<vmem>>
    %dma_start3A_7 = arith.constant 0 : i32
    %dma_start3A_8 = arith.constant 0 : i32
    %dma_start3A_9 = tpu.memref_slice %arg2[%dma_start3A_7, %dma_start3A_8] : memref<100000x128xf32, #tpu.memory_space<hbm>> -> memref<100000x128xf32, #tpu.memory_space<hbm>>
    tpu.enqueue_indirect_dma source(%dma_start3A_9 : memref<100000x128xf32, #tpu.memory_space<hbm>>) target(%dma_start3A_4 : memref<128x128xf32, #tpu.memory_space<vmem>>) offsets(%dma_start3A_6 : memref<128xi32, #tpu.memory_space<vmem>>) semaphore(%arg12 : memref<!tpu.dma_semaphore, #tpu.memory_space<semaphore_mem>>)
    %dma_start3A_10 = arith.constant 0 : i32
    %dma_start3A_11 = arith.constant 0 : i32
    %dma_start3A_12 = tpu.memref_slice %arg11[%dma_start3A_10, %dma_start3A_11] : memref<256x128xf32, #tpu.memory_space<vmem>> -> memref<128x128xf32, #tpu.memory_space<vmem>>
    %dma_start3A_13 = arith.constant 0 : i32
    %dma_start3A_14 = tpu.memref_slice %arg9[%dma_start3A_13] : memref<512xi32, #tpu.memory_space<vmem>> -> memref<128xi32, #tpu.memory_space<vmem>>
    %dma_start3A_15 = arith.constant 0 : i32
    %dma_start3A_16 = arith.constant 0 : i32
    %dma_start3A_17 = tpu.memref_slice %arg3[%dma_start3A_15, %dma_start3A_16] : memref<100000x128xf32, #tpu.memory_space<hbm>> -> memref<100000x128xf32, #tpu.memory_space<hbm>>
    tpu.enqueue_indirect_dma source(%dma_start3A_17 : memref<100000x128xf32, #tpu.memory_space<hbm>>) target(%dma_start3A_12 : memref<128x128xf32, #tpu.memory_space<vmem>>) offsets(%dma_start3A_14 : memref<128xi32, #tpu.memory_space<vmem>>) semaphore(%arg12 : memref<!tpu.dma_semaphore, #tpu.memory_space<semaphore_mem>>)
    %dma_start3A_18 = arith.constant 128 : i32
    %dma_start3A_19 = arith.constant 0 : i32
    %dma_start3A_20 = tpu.memref_slice %arg10[%dma_start3A_18, %dma_start3A_19] : memref<256x128xf32, #tpu.memory_space<vmem>> -> memref<128x128xf32, #tpu.memory_space<vmem>>
    %dma_start3A_21 = arith.constant 128 : i32
    %dma_start3A_22 = tpu.memref_slice %arg8[%dma_start3A_21] : memref<512xi32, #tpu.memory_space<vmem>> -> memref<128xi32, #tpu.memory_space<vmem>>
    %dma_start3A_23 = arith.constant 0 : i32
    %dma_start3A_24 = arith.constant 0 : i32
    %dma_start3A_25 = tpu.memref_slice %arg2[%dma_start3A_23, %dma_start3A_24] : memref<100000x128xf32, #tpu.memory_space<hbm>> -> memref<100000x128xf32, #tpu.memory_space<hbm>>
    tpu.enqueue_indirect_dma source(%dma_start3A_25 : memref<100000x128xf32, #tpu.memory_space<hbm>>) target(%dma_start3A_20 : memref<128x128xf32, #tpu.memory_space<vmem>>) offsets(%dma_start3A_22 : memref<128xi32, #tpu.memory_space<vmem>>) semaphore(%arg12 : memref<!tpu.dma_semaphore, #tpu.memory_space<semaphore_mem>>)
    %dma_start3A_26 = arith.constant 128 : i32
    %dma_start3A_27 = arith.constant 0 : i32
    %dma_start3A_28 = tpu.memref_slice %arg11[%dma_start3A_26, %dma_start3A_27] : memref<256x128xf32, #tpu.memory_space<vmem>> -> memref<128x128xf32, #tpu.memory_space<vmem>>
    %dma_start3A_29 = arith.constant 128 : i32
    %dma_start3A_30 = tpu.memref_slice %arg9[%dma_start3A_29] : memref<512xi32, #tpu.memory_space<vmem>> -> memref<128xi32, #tpu.memory_space<vmem>>
    %dma_start3A_31 = arith.constant 0 : i32
    %dma_start3A_32 = arith.constant 0 : i32
    %dma_start3A_33 = tpu.memref_slice %arg3[%dma_start3A_31, %dma_start3A_32] : memref<100000x128xf32, #tpu.memory_space<hbm>> -> memref<100000x128xf32, #tpu.memory_space<hbm>>
    tpu.enqueue_indirect_dma source(%dma_start3A_33 : memref<100000x128xf32, #tpu.memory_space<hbm>>) target(%dma_start3A_28 : memref<128x128xf32, #tpu.memory_space<vmem>>) offsets(%dma_start3A_30 : memref<128xi32, #tpu.memory_space<vmem>>) semaphore(%arg12 : memref<!tpu.dma_semaphore, #tpu.memory_space<semaphore_mem>>)
    %dma_wait3A = arith.constant 0 : i32
    %dma_wait3A_34 = arith.constant 0 : i32
    %dma_wait3A_35 = tpu.memref_slice %arg10[%dma_wait3A, %dma_wait3A_34] : memref<256x128xf32, #tpu.memory_space<vmem>> -> memref<128x128xf32, #tpu.memory_space<vmem>>
    %dma_wait3A_36 = arith.constant 0 : i32
    %dma_wait3A_37 = tpu.memref_slice %arg8[%dma_wait3A_36] : memref<512xi32, #tpu.memory_space<vmem>> -> memref<128xi32, #tpu.memory_space<vmem>>
    %dma_wait3A_38 = arith.constant 0 : i32
    %dma_wait3A_39 = arith.constant 0 : i32
    %dma_wait3A_40 = tpu.memref_slice %arg2[%dma_wait3A_38, %dma_wait3A_39] : memref<100000x128xf32, #tpu.memory_space<hbm>> -> memref<100000x128xf32, #tpu.memory_space<hbm>>
    tpu.wait_indirect_dma semaphore(%arg12 : memref<!tpu.dma_semaphore, #tpu.memory_space<semaphore_mem>>) src(%dma_wait3A_40 : memref<100000x128xf32, #tpu.memory_space<hbm>>) dst(%dma_wait3A_35 : memref<128x128xf32, #tpu.memory_space<vmem>>)
    %dma_wait3A_41 = arith.constant 0 : i32
    %dma_wait3A_42 = arith.constant 0 : i32
    %dma_wait3A_43 = tpu.memref_slice %arg11[%dma_wait3A_41, %dma_wait3A_42] : memref<256x128xf32, #tpu.memory_space<vmem>> -> memref<128x128xf32, #tpu.memory_space<vmem>>
    %dma_wait3A_44 = arith.constant 0 : i32
    %dma_wait3A_45 = tpu.memref_slice %arg9[%dma_wait3A_44] : memref<512xi32, #tpu.memory_space<vmem>> -> memref<128xi32, #tpu.memory_space<vmem>>
    %dma_wait3A_46 = arith.constant 0 : i32
    %dma_wait3A_47 = arith.constant 0 : i32
    %dma_wait3A_48 = tpu.memref_slice %arg3[%dma_wait3A_46, %dma_wait3A_47] : memref<100000x128xf32, #tpu.memory_space<hbm>> -> memref<100000x128xf32, #tpu.memory_space<hbm>>
    tpu.wait_indirect_dma semaphore(%arg12 : memref<!tpu.dma_semaphore, #tpu.memory_space<semaphore_mem>>) src(%dma_wait3A_48 : memref<100000x128xf32, #tpu.memory_space<hbm>>) dst(%dma_wait3A_43 : memref<128x128xf32, #tpu.memory_space<vmem>>)
    %dma_wait3A_49 = arith.constant 128 : i32
    %dma_wait3A_50 = arith.constant 0 : i32
    %dma_wait3A_51 = tpu.memref_slice %arg10[%dma_wait3A_49, %dma_wait3A_50] : memref<256x128xf32, #tpu.memory_space<vmem>> -> memref<128x128xf32, #tpu.memory_space<vmem>>
    %dma_wait3A_52 = arith.constant 128 : i32
    %dma_wait3A_53 = tpu.memref_slice %arg8[%dma_wait3A_52] : memref<512xi32, #tpu.memory_space<vmem>> -> memref<128xi32, #tpu.memory_space<vmem>>
    %dma_wait3A_54 = arith.constant 0 : i32
    %dma_wait3A_55 = arith.constant 0 : i32
    %dma_wait3A_56 = tpu.memref_slice %arg2[%dma_wait3A_54, %dma_wait3A_55] : memref<100000x128xf32, #tpu.memory_space<hbm>> -> memref<100000x128xf32, #tpu.memory_space<hbm>>
    tpu.wait_indirect_dma semaphore(%arg12 : memref<!tpu.dma_semaphore, #tpu.memory_space<semaphore_mem>>) src(%dma_wait3A_56 : memref<100000x128xf32, #tpu.memory_space<hbm>>) dst(%dma_wait3A_51 : memref<128x128xf32, #tpu.memory_space<vmem>>)
    %dma_wait3A_57 = arith.constant 128 : i32
    %dma_wait3A_58 = arith.constant 0 : i32
    %dma_wait3A_59 = tpu.memref_slice %arg11[%dma_wait3A_57, %dma_wait3A_58] : memref<256x128xf32, #tpu.memory_space<vmem>> -> memref<128x128xf32, #tpu.memory_space<vmem>>
    %dma_wait3A_60 = arith.constant 128 : i32
    %dma_wait3A_61 = tpu.memref_slice %arg9[%dma_wait3A_60] : memref<512xi32, #tpu.memory_space<vmem>> -> memref<128xi32, #tpu.memory_space<vmem>>
    %dma_wait3A_62 = arith.constant 0 : i32
    %dma_wait3A_63 = arith.constant 0 : i32
    %dma_wait3A_64 = tpu.memref_slice %arg3[%dma_wait3A_62, %dma_wait3A_63] : memref<100000x128xf32, #tpu.memory_space<hbm>> -> memref<100000x128xf32, #tpu.memory_space<hbm>>
    tpu.wait_indirect_dma semaphore(%arg12 : memref<!tpu.dma_semaphore, #tpu.memory_space<semaphore_mem>>) src(%dma_wait3A_64 : memref<100000x128xf32, #tpu.memory_space<hbm>>) dst(%dma_wait3A_59 : memref<128x128xf32, #tpu.memory_space<vmem>>)
    %add3A_65 = arith.constant 0 : i32
    %add3A_66 = arith.addi %mul3A_2, %add3A_65 : i32
    "tpu.region"() ({
      %run_scoped3A = tpu.sem_alloc : memref<!tpu.dma_semaphore, #tpu.memory_space<semaphore_mem>>
      %dma_start3A_137 = arith.constant 0 : i32
      %dma_start3A_138 = tpu.memref_slice %arg6[%add3A_66, %dma_start3A_137] : memref<16384x128xf32, #tpu.memory_space<hbm>> -> memref<256x128xf32, #tpu.memory_space<hbm>>
      %dma_start3A_139 = arith.constant 0 : i32
      %dma_start3A_140 = tpu.memref_slice %arg6[%add3A_66, %dma_start3A_139] : memref<16384x128xf32, #tpu.memory_space<hbm>> -> memref<256x128xf32, #tpu.memory_space<hbm>>
      tpu.enqueue_dma source(%arg10 : memref<256x128xf32, #tpu.memory_space<vmem>>) target(%dma_start3A_140 : memref<256x128xf32, #tpu.memory_space<hbm>>) target_semaphore(%run_scoped3A : memref<!tpu.dma_semaphore, #tpu.memory_space<semaphore_mem>>)
      %dma_wait3A_141 = arith.constant 0 : i32
      %dma_wait3A_142 = tpu.memref_slice %arg6[%add3A_66, %dma_wait3A_141] : memref<16384x128xf32, #tpu.memory_space<hbm>> -> memref<256x128xf32, #tpu.memory_space<hbm>>
      %dma_wait3A_143 = arith.constant 0 : i32
      %dma_wait3A_144 = tpu.memref_slice %arg6[%add3A_66, %dma_wait3A_143] : memref<16384x128xf32, #tpu.memory_space<hbm>> -> memref<256x128xf32, #tpu.memory_space<hbm>>
      tpu.wait_dma2 semaphore(%run_scoped3A : memref<!tpu.dma_semaphore, #tpu.memory_space<semaphore_mem>>) src(%arg10 : memref<256x128xf32, #tpu.memory_space<vmem>>) dst(%dma_wait3A_144 : memref<256x128xf32, #tpu.memory_space<hbm>>)
      tpu.yield
    }) : () -> ()
    %add3A_67 = arith.constant 0 : i32
    %add3A_68 = arith.addi %mul3A_2, %add3A_67 : i32
    "tpu.region"() ({
      %run_scoped3A = tpu.sem_alloc : memref<!tpu.dma_semaphore, #tpu.memory_space<semaphore_mem>>
      %dma_start3A_137 = arith.constant 0 : i32
      %dma_start3A_138 = tpu.memref_slice %arg7[%add3A_68, %dma_start3A_137] : memref<16384x128xf32, #tpu.memory_space<hbm>> -> memref<256x128xf32, #tpu.memory_space<hbm>>
      %dma_start3A_139 = arith.constant 0 : i32
      %dma_start3A_140 = tpu.memref_slice %arg7[%add3A_68, %dma_start3A_139] : memref<16384x128xf32, #tpu.memory_space<hbm>> -> memref<256x128xf32, #tpu.memory_space<hbm>>
      tpu.enqueue_dma source(%arg11 : memref<256x128xf32, #tpu.memory_space<vmem>>) target(%dma_start3A_140 : memref<256x128xf32, #tpu.memory_space<hbm>>) target_semaphore(%run_scoped3A : memref<!tpu.dma_semaphore, #tpu.memory_space<semaphore_mem>>)
      %dma_wait3A_141 = arith.constant 0 : i32
      %dma_wait3A_142 = tpu.memref_slice %arg7[%add3A_68, %dma_wait3A_141] : memref<16384x128xf32, #tpu.memory_space<hbm>> -> memref<256x128xf32, #tpu.memory_space<hbm>>
      %dma_wait3A_143 = arith.constant 0 : i32
      %dma_wait3A_144 = tpu.memref_slice %arg7[%add3A_68, %dma_wait3A_143] : memref<16384x128xf32, #tpu.memory_space<hbm>> -> memref<256x128xf32, #tpu.memory_space<hbm>>
      tpu.wait_dma2 semaphore(%run_scoped3A : memref<!tpu.dma_semaphore, #tpu.memory_space<semaphore_mem>>) src(%arg11 : memref<256x128xf32, #tpu.memory_space<vmem>>) dst(%dma_wait3A_144 : memref<256x128xf32, #tpu.memory_space<hbm>>)
      tpu.yield
    }) : () -> ()
    %dma_start3A_69 = arith.constant 0 : i32
    %dma_start3A_70 = arith.constant 0 : i32
    %dma_start3A_71 = tpu.memref_slice %arg10[%dma_start3A_69, %dma_start3A_70] : memref<256x128xf32, #tpu.memory_space<vmem>> -> memref<128x128xf32, #tpu.memory_space<vmem>>
    %dma_start3A_72 = arith.constant 256 : i32
    %dma_start3A_73 = tpu.memref_slice %arg8[%dma_start3A_72] : memref<512xi32, #tpu.memory_space<vmem>> -> memref<128xi32, #tpu.memory_space<vmem>>
    %dma_start3A_74 = arith.constant 0 : i32
    %dma_start3A_75 = arith.constant 0 : i32
    %dma_start3A_76 = tpu.memref_slice %arg2[%dma_start3A_74, %dma_start3A_75] : memref<100000x128xf32, #tpu.memory_space<hbm>> -> memref<100000x128xf32, #tpu.memory_space<hbm>>
    tpu.enqueue_indirect_dma source(%dma_start3A_76 : memref<100000x128xf32, #tpu.memory_space<hbm>>) target(%dma_start3A_71 : memref<128x128xf32, #tpu.memory_space<vmem>>) offsets(%dma_start3A_73 : memref<128xi32, #tpu.memory_space<vmem>>) semaphore(%arg12 : memref<!tpu.dma_semaphore, #tpu.memory_space<semaphore_mem>>)
    %dma_start3A_77 = arith.constant 0 : i32
    %dma_start3A_78 = arith.constant 0 : i32
    %dma_start3A_79 = tpu.memref_slice %arg11[%dma_start3A_77, %dma_start3A_78] : memref<256x128xf32, #tpu.memory_space<vmem>> -> memref<128x128xf32, #tpu.memory_space<vmem>>
    %dma_start3A_80 = arith.constant 256 : i32
    %dma_start3A_81 = tpu.memref_slice %arg9[%dma_start3A_80] : memref<512xi32, #tpu.memory_space<vmem>> -> memref<128xi32, #tpu.memory_space<vmem>>
    %dma_start3A_82 = arith.constant 0 : i32
    %dma_start3A_83 = arith.constant 0 : i32
    %dma_start3A_84 = tpu.memref_slice %arg3[%dma_start3A_82, %dma_start3A_83] : memref<100000x128xf32, #tpu.memory_space<hbm>> -> memref<100000x128xf32, #tpu.memory_space<hbm>>
    tpu.enqueue_indirect_dma source(%dma_start3A_84 : memref<100000x128xf32, #tpu.memory_space<hbm>>) target(%dma_start3A_79 : memref<128x128xf32, #tpu.memory_space<vmem>>) offsets(%dma_start3A_81 : memref<128xi32, #tpu.memory_space<vmem>>) semaphore(%arg12 : memref<!tpu.dma_semaphore, #tpu.memory_space<semaphore_mem>>)
    %dma_start3A_85 = arith.constant 128 : i32
    %dma_start3A_86 = arith.constant 0 : i32
    %dma_start3A_87 = tpu.memref_slice %arg10[%dma_start3A_85, %dma_start3A_86] : memref<256x128xf32, #tpu.memory_space<vmem>> -> memref<128x128xf32, #tpu.memory_space<vmem>>
    %dma_start3A_88 = arith.constant 384 : i32
    %dma_start3A_89 = tpu.memref_slice %arg8[%dma_start3A_88] : memref<512xi32, #tpu.memory_space<vmem>> -> memref<128xi32, #tpu.memory_space<vmem>>
    %dma_start3A_90 = arith.constant 0 : i32
    %dma_start3A_91 = arith.constant 0 : i32
    %dma_start3A_92 = tpu.memref_slice %arg2[%dma_start3A_90, %dma_start3A_91] : memref<100000x128xf32, #tpu.memory_space<hbm>> -> memref<100000x128xf32, #tpu.memory_space<hbm>>
    tpu.enqueue_indirect_dma source(%dma_start3A_92 : memref<100000x128xf32, #tpu.memory_space<hbm>>) target(%dma_start3A_87 : memref<128x128xf32, #tpu.memory_space<vmem>>) offsets(%dma_start3A_89 : memref<128xi32, #tpu.memory_space<vmem>>) semaphore(%arg12 : memref<!tpu.dma_semaphore, #tpu.memory_space<semaphore_mem>>)
    %dma_start3A_93 = arith.constant 128 : i32
    %dma_start3A_94 = arith.constant 0 : i32
    %dma_start3A_95 = tpu.memref_slice %arg11[%dma_start3A_93, %dma_start3A_94] : memref<256x128xf32, #tpu.memory_space<vmem>> -> memref<128x128xf32, #tpu.memory_space<vmem>>
    %dma_start3A_96 = arith.constant 384 : i32
    %dma_start3A_97 = tpu.memref_slice %arg9[%dma_start3A_96] : memref<512xi32, #tpu.memory_space<vmem>> -> memref<128xi32, #tpu.memory_space<vmem>>
    %dma_start3A_98 = arith.constant 0 : i32
    %dma_start3A_99 = arith.constant 0 : i32
    %dma_start3A_100 = tpu.memref_slice %arg3[%dma_start3A_98, %dma_start3A_99] : memref<100000x128xf32, #tpu.memory_space<hbm>> -> memref<100000x128xf32, #tpu.memory_space<hbm>>
    tpu.enqueue_indirect_dma source(%dma_start3A_100 : memref<100000x128xf32, #tpu.memory_space<hbm>>) target(%dma_start3A_95 : memref<128x128xf32, #tpu.memory_space<vmem>>) offsets(%dma_start3A_97 : memref<128xi32, #tpu.memory_space<vmem>>) semaphore(%arg12 : memref<!tpu.dma_semaphore, #tpu.memory_space<semaphore_mem>>)
    %dma_wait3A_101 = arith.constant 0 : i32
    %dma_wait3A_102 = arith.constant 0 : i32
    %dma_wait3A_103 = tpu.memref_slice %arg10[%dma_wait3A_101, %dma_wait3A_102] : memref<256x128xf32, #tpu.memory_space<vmem>> -> memref<128x128xf32, #tpu.memory_space<vmem>>
    %dma_wait3A_104 = arith.constant 256 : i32
    %dma_wait3A_105 = tpu.memref_slice %arg8[%dma_wait3A_104] : memref<512xi32, #tpu.memory_space<vmem>> -> memref<128xi32, #tpu.memory_space<vmem>>
    %dma_wait3A_106 = arith.constant 0 : i32
    %dma_wait3A_107 = arith.constant 0 : i32
    %dma_wait3A_108 = tpu.memref_slice %arg2[%dma_wait3A_106, %dma_wait3A_107] : memref<100000x128xf32, #tpu.memory_space<hbm>> -> memref<100000x128xf32, #tpu.memory_space<hbm>>
    tpu.wait_indirect_dma semaphore(%arg12 : memref<!tpu.dma_semaphore, #tpu.memory_space<semaphore_mem>>) src(%dma_wait3A_108 : memref<100000x128xf32, #tpu.memory_space<hbm>>) dst(%dma_wait3A_103 : memref<128x128xf32, #tpu.memory_space<vmem>>)
    %dma_wait3A_109 = arith.constant 0 : i32
    %dma_wait3A_110 = arith.constant 0 : i32
    %dma_wait3A_111 = tpu.memref_slice %arg11[%dma_wait3A_109, %dma_wait3A_110] : memref<256x128xf32, #tpu.memory_space<vmem>> -> memref<128x128xf32, #tpu.memory_space<vmem>>
    %dma_wait3A_112 = arith.constant 256 : i32
    %dma_wait3A_113 = tpu.memref_slice %arg9[%dma_wait3A_112] : memref<512xi32, #tpu.memory_space<vmem>> -> memref<128xi32, #tpu.memory_space<vmem>>
    %dma_wait3A_114 = arith.constant 0 : i32
    %dma_wait3A_115 = arith.constant 0 : i32
    %dma_wait3A_116 = tpu.memref_slice %arg3[%dma_wait3A_114, %dma_wait3A_115] : memref<100000x128xf32, #tpu.memory_space<hbm>> -> memref<100000x128xf32, #tpu.memory_space<hbm>>
    tpu.wait_indirect_dma semaphore(%arg12 : memref<!tpu.dma_semaphore, #tpu.memory_space<semaphore_mem>>) src(%dma_wait3A_116 : memref<100000x128xf32, #tpu.memory_space<hbm>>) dst(%dma_wait3A_111 : memref<128x128xf32, #tpu.memory_space<vmem>>)
    %dma_wait3A_117 = arith.constant 128 : i32
    %dma_wait3A_118 = arith.constant 0 : i32
    %dma_wait3A_119 = tpu.memref_slice %arg10[%dma_wait3A_117, %dma_wait3A_118] : memref<256x128xf32, #tpu.memory_space<vmem>> -> memref<128x128xf32, #tpu.memory_space<vmem>>
    %dma_wait3A_120 = arith.constant 384 : i32
    %dma_wait3A_121 = tpu.memref_slice %arg8[%dma_wait3A_120] : memref<512xi32, #tpu.memory_space<vmem>> -> memref<128xi32, #tpu.memory_space<vmem>>
    %dma_wait3A_122 = arith.constant 0 : i32
    %dma_wait3A_123 = arith.constant 0 : i32
    %dma_wait3A_124 = tpu.memref_slice %arg2[%dma_wait3A_122, %dma_wait3A_123] : memref<100000x128xf32, #tpu.memory_space<hbm>> -> memref<100000x128xf32, #tpu.memory_space<hbm>>
    tpu.wait_indirect_dma semaphore(%arg12 : memref<!tpu.dma_semaphore, #tpu.memory_space<semaphore_mem>>) src(%dma_wait3A_124 : memref<100000x128xf32, #tpu.memory_space<hbm>>) dst(%dma_wait3A_119 : memref<128x128xf32, #tpu.memory_space<vmem>>)
    %dma_wait3A_125 = arith.constant 128 : i32
    %dma_wait3A_126 = arith.constant 0 : i32
    %dma_wait3A_127 = tpu.memref_slice %arg11[%dma_wait3A_125, %dma_wait3A_126] : memref<256x128xf32, #tpu.memory_space<vmem>> -> memref<128x128xf32, #tpu.memory_space<vmem>>
    %dma_wait3A_128 = arith.constant 384 : i32
    %dma_wait3A_129 = tpu.memref_slice %arg9[%dma_wait3A_128] : memref<512xi32, #tpu.memory_space<vmem>> -> memref<128xi32, #tpu.memory_space<vmem>>
    %dma_wait3A_130 = arith.constant 0 : i32
    %dma_wait3A_131 = arith.constant 0 : i32
    %dma_wait3A_132 = tpu.memref_slice %arg3[%dma_wait3A_130, %dma_wait3A_131] : memref<100000x128xf32, #tpu.memory_space<hbm>> -> memref<100000x128xf32, #tpu.memory_space<hbm>>
    tpu.wait_indirect_dma semaphore(%arg12 : memref<!tpu.dma_semaphore, #tpu.memory_space<semaphore_mem>>) src(%dma_wait3A_132 : memref<100000x128xf32, #tpu.memory_space<hbm>>) dst(%dma_wait3A_127 : memref<128x128xf32, #tpu.memory_space<vmem>>)
    %add3A_133 = arith.constant 256 : i32
    %add3A_134 = arith.addi %mul3A_2, %add3A_133 : i32
    "tpu.region"() ({
      %run_scoped3A = tpu.sem_alloc : memref<!tpu.dma_semaphore, #tpu.memory_space<semaphore_mem>>
      %dma_start3A_137 = arith.constant 0 : i32
      %dma_start3A_138 = tpu.memref_slice %arg6[%add3A_134, %dma_start3A_137] : memref<16384x128xf32, #tpu.memory_space<hbm>> -> memref<256x128xf32, #tpu.memory_space<hbm>>
      %dma_start3A_139 = arith.constant 0 : i32
      %dma_start3A_140 = tpu.memref_slice %arg6[%add3A_134, %dma_start3A_139] : memref<16384x128xf32, #tpu.memory_space<hbm>> -> memref<256x128xf32, #tpu.memory_space<hbm>>
      tpu.enqueue_dma source(%arg10 : memref<256x128xf32, #tpu.memory_space<vmem>>) target(%dma_start3A_140 : memref<256x128xf32, #tpu.memory_space<hbm>>) target_semaphore(%run_scoped3A : memref<!tpu.dma_semaphore, #tpu.memory_space<semaphore_mem>>)
      %dma_wait3A_141 = arith.constant 0 : i32
      %dma_wait3A_142 = tpu.memref_slice %arg6[%add3A_134, %dma_wait3A_141] : memref<16384x128xf32, #tpu.memory_space<hbm>> -> memref<256x128xf32, #tpu.memory_space<hbm>>
      %dma_wait3A_143 = arith.constant 0 : i32
      %dma_wait3A_144 = tpu.memref_slice %arg6[%add3A_134, %dma_wait3A_143] : memref<16384x128xf32, #tpu.memory_space<hbm>> -> memref<256x128xf32, #tpu.memory_space<hbm>>
      tpu.wait_dma2 semaphore(%run_scoped3A : memref<!tpu.dma_semaphore, #tpu.memory_space<semaphore_mem>>) src(%arg10 : memref<256x128xf32, #tpu.memory_space<vmem>>) dst(%dma_wait3A_144 : memref<256x128xf32, #tpu.memory_space<hbm>>)
      tpu.yield
    }) : () -> ()
    %add3A_135 = arith.constant 256 : i32
    %add3A_136 = arith.addi %mul3A_2, %add3A_135 : i32
    "tpu.region"() ({
      %run_scoped3A = tpu.sem_alloc : memref<!tpu.dma_semaphore, #tpu.memory_space<semaphore_mem>>
      %dma_start3A_137 = arith.constant 0 : i32
      %dma_start3A_138 = tpu.memref_slice %arg7[%add3A_136, %dma_start3A_137] : memref<16384x128xf32, #tpu.memory_space<hbm>> -> memref<256x128xf32, #tpu.memory_space<hbm>>
      %dma_start3A_139 = arith.constant 0 : i32
      %dma_start3A_140 = tpu.memref_slice %arg7[%add3A_136, %dma_start3A_139] : memref<16384x128xf32, #tpu.memory_space<hbm>> -> memref<256x128xf32, #tpu.memory_space<hbm>>
      tpu.enqueue_dma source(%arg11 : memref<256x128xf32, #tpu.memory_space<vmem>>) target(%dma_start3A_140 : memref<256x128xf32, #tpu.memory_space<hbm>>) target_semaphore(%run_scoped3A : memref<!tpu.dma_semaphore, #tpu.memory_space<semaphore_mem>>)
      %dma_wait3A_141 = arith.constant 0 : i32
      %dma_wait3A_142 = tpu.memref_slice %arg7[%add3A_136, %dma_wait3A_141] : memref<16384x128xf32, #tpu.memory_space<hbm>> -> memref<256x128xf32, #tpu.memory_space<hbm>>
      %dma_wait3A_143 = arith.constant 0 : i32
      %dma_wait3A_144 = tpu.memref_slice %arg7[%add3A_136, %dma_wait3A_143] : memref<16384x128xf32, #tpu.memory_space<hbm>> -> memref<256x128xf32, #tpu.memory_space<hbm>>
      tpu.wait_dma2 semaphore(%run_scoped3A : memref<!tpu.dma_semaphore, #tpu.memory_space<semaphore_mem>>) src(%arg11 : memref<256x128xf32, #tpu.memory_space<vmem>>) dst(%dma_wait3A_144 : memref<256x128xf32, #tpu.memory_space<hbm>>)
      tpu.yield
    }) : () -> ()
    return
  }
}

module attributes {stable_mosaic.version = 14 : i64} {
  func.func @_tr_body(%arg0: i32, %arg1: memref<64x4096xf32, #tpu.memory_space<vmem>>, %arg2: memref<64x4096xf32, #tpu.memory_space<vmem>>, %arg3: memref<64x4096xf32, #tpu.memory_space<vmem>>, %arg4: memref<64x4096xf32, #tpu.memory_space<vmem>>, %arg5: memref<64x64xf32, #tpu.memory_space<vmem>>, %arg6: memref<4096x128xf32, #tpu.memory_space<vmem>>, %arg7: memref<4096x128xf32, #tpu.memory_space<vmem>>) attributes {dimension_semantics = [#tpu.dimension_semantics<arbitrary>], iteration_bounds = array<i64: 25>, scalar_prefetch = 0 : i64, scratch_operands = 0 : i64, tpu.core_type = #tpu.core_type<tc>, window_params = [{transform_indices = @transform_0, window_bounds = array<i64: 64, 4096>}, {transform_indices = @transform_1, window_bounds = array<i64: 64, 4096>}, {transform_indices = @transform_2, window_bounds = array<i64: 64, 4096>}, {transform_indices = @transform_3, window_bounds = array<i64: 64, 4096>}, {pipeline_mode = #tpu.pipeline_mode<synchronous>, transform_indices = @transform_4, window_bounds = array<i64: 64, 64>}, {transform_indices = @transform_5, window_bounds = array<i64: 4096, 128>}, {transform_indices = @transform_6, window_bounds = array<i64: 4096, 128>}]} {
    %get3A = arith.constant 0 : index
    %get3A_0 = arith.constant 0 : index
    %get3A_1 = vector.load %arg5[%get3A, %get3A_0] : memref<64x64xf32, #tpu.memory_space<vmem>>, vector<64x64xf32>
    %get3A_2 = arith.constant 0 : index
    %get3A_3 = arith.constant 0 : index
    %get3A_4 = vector.load %arg1[%get3A_2, %get3A_3] : memref<64x4096xf32, #tpu.memory_space<vmem>>, vector<64x4096xf32>
    %dot_general3A = arith.constant dense<0.000000e+00> : vector<4096x64xf32>
    %dot_general3A_5 = tpu.matmul %get3A_4, %get3A_1, %dot_general3A {dimension_numbers = #tpu.dot_dimension_numbers<[0], [0], [1], [1], [0, 1, 1, 1], [], []>, transpose_lhs_hint = false} : vector<64x4096xf32>, vector<64x64xf32>, vector<4096x64xf32> -> vector<4096x64xf32>
    %get3A_6 = arith.constant 0 : index
    %get3A_7 = arith.constant 0 : index
    %get3A_8 = vector.load %arg2[%get3A_6, %get3A_7] : memref<64x4096xf32, #tpu.memory_space<vmem>>, vector<64x4096xf32>
    %dot_general3A_9 = arith.constant dense<0.000000e+00> : vector<4096x64xf32>
    %dot_general3A_10 = tpu.matmul %get3A_8, %get3A_1, %dot_general3A_9 {dimension_numbers = #tpu.dot_dimension_numbers<[0], [0], [1], [1], [0, 1, 1, 1], [], []>, transpose_lhs_hint = false} : vector<64x4096xf32>, vector<64x64xf32>, vector<4096x64xf32> -> vector<4096x64xf32>
    %concatenate3A = tpu.concatenate %dot_general3A_5, %dot_general3A_10 in 1 : vector<4096x64xf32>, vector<4096x64xf32> -> vector<4096x128xf32>
    %swap3A = arith.constant 0 : index
    %swap3A_11 = arith.constant 0 : index
    %swap3A_12 = vector.load %arg6[%swap3A, %swap3A_11] : memref<4096x128xf32, #tpu.memory_space<vmem>>, vector<4096x128xf32>
    tpu.vector_store %arg6[%swap3A, %swap3A_11], %concatenate3A {strides = array<i32>} : memref<4096x128xf32, #tpu.memory_space<vmem>>, vector<4096x128xf32>,
    %get3A_13 = arith.constant 0 : index
    %get3A_14 = arith.constant 0 : index
    %get3A_15 = vector.load %arg3[%get3A_13, %get3A_14] : memref<64x4096xf32, #tpu.memory_space<vmem>>, vector<64x4096xf32>
    %dot_general3A_16 = arith.constant dense<0.000000e+00> : vector<4096x64xf32>
    %dot_general3A_17 = tpu.matmul %get3A_15, %get3A_1, %dot_general3A_16 {dimension_numbers = #tpu.dot_dimension_numbers<[0], [0], [1], [1], [0, 1, 1, 1], [], []>, transpose_lhs_hint = false} : vector<64x4096xf32>, vector<64x64xf32>, vector<4096x64xf32> -> vector<4096x64xf32>
    %get3A_18 = arith.constant 0 : index
    %get3A_19 = arith.constant 0 : index
    %get3A_20 = vector.load %arg4[%get3A_18, %get3A_19] : memref<64x4096xf32, #tpu.memory_space<vmem>>, vector<64x4096xf32>
    %dot_general3A_21 = arith.constant dense<0.000000e+00> : vector<4096x64xf32>
    %dot_general3A_22 = tpu.matmul %get3A_20, %get3A_1, %dot_general3A_21 {dimension_numbers = #tpu.dot_dimension_numbers<[0], [0], [1], [1], [0, 1, 1, 1], [], []>, transpose_lhs_hint = false} : vector<64x4096xf32>, vector<64x64xf32>, vector<4096x64xf32> -> vector<4096x64xf32>
    %concatenate3A_23 = tpu.concatenate %dot_general3A_17, %dot_general3A_22 in 1 : vector<4096x64xf32>, vector<4096x64xf32> -> vector<4096x128xf32>
    %swap3A_24 = arith.constant 0 : index
    %swap3A_25 = arith.constant 0 : index
    %swap3A_26 = vector.load %arg7[%swap3A_24, %swap3A_25] : memref<4096x128xf32, #tpu.memory_space<vmem>>, vector<4096x128xf32>
    tpu.vector_store %arg7[%swap3A_24, %swap3A_25], %concatenate3A_23 {strides = array<i32>} : memref<4096x128xf32, #tpu.memory_space<vmem>>, vector<4096x128xf32>,
    return
  }
  func.func @transform_0(%arg0: i32) -> (i32, i32) {
    %c0_i32 = arith.constant 0 : i32
    %c0_i32_0 = arith.constant 0 : i32
    return %c0_i32, %arg0 : i32, i32
  }
  func.func @transform_1(%arg0: i32) -> (i32, i32) {
    %c0_i32 = arith.constant 0 : i32
    %c0_i32_0 = arith.constant 0 : i32
    return %c0_i32, %arg0 : i32, i32
  }
  func.func @transform_2(%arg0: i32) -> (i32, i32) {
    %c0_i32 = arith.constant 0 : i32
    %c0_i32_0 = arith.constant 0 : i32
    return %c0_i32, %arg0 : i32, i32
  }
  func.func @transform_3(%arg0: i32) -> (i32, i32) {
    %c0_i32 = arith.constant 0 : i32
    %c0_i32_0 = arith.constant 0 : i32
    return %c0_i32, %arg0 : i32, i32
  }
  func.func @transform_4(%arg0: i32) -> (i32, i32) {
    %c0_i32 = arith.constant 0 : i32
    %c0_i32_0 = arith.constant 0 : i32
    %c0_i32_1 = arith.constant 0 : i32
    return %c0_i32, %c0_i32_0 : i32, i32
  }
  func.func @transform_5(%arg0: i32) -> (i32, i32) {
    %c0_i32 = arith.constant 0 : i32
    %c0_i32_0 = arith.constant 0 : i32
    return %arg0, %c0_i32 : i32, i32
  }
  func.func @transform_6(%arg0: i32) -> (i32, i32) {
    %c0_i32 = arith.constant 0 : i32
    %c0_i32_0 = arith.constant 0 : i32
    return %arg0, %c0_i32 : i32, i32
  }
}

module attributes {stable_mosaic.version = 14 : i64} {
  func.func @_mlp_body(%arg0: i32, %arg1: memref<1024x128xf32, #tpu.memory_space<vmem>>, %arg2: memref<1024x128xf32, #tpu.memory_space<vmem>>, %arg3: memref<1024x8xf32, #tpu.memory_space<vmem>>, %arg4: memref<1024x4xi32, #tpu.memory_space<vmem>>, %arg5: memref<32x16xf32, #tpu.memory_space<vmem>>, %arg6: memref<16x128xf32, #tpu.memory_space<vmem>>, %arg7: memref<128x128xf32, #tpu.memory_space<vmem>>, %arg8: memref<128x128xf32, #tpu.memory_space<vmem>>, %arg9: memref<8x128xf32, #tpu.memory_space<vmem>>, %arg10: memref<1x128xf32, #tpu.memory_space<vmem>>, %arg11: memref<128x64xf32, #tpu.memory_space<vmem>>, %arg12: memref<1x64xf32, #tpu.memory_space<vmem>>, %arg13: memref<64x1xf32, #tpu.memory_space<vmem>>, %arg14: memref<128x1xf32, #tpu.memory_space<vmem>>, %arg15: memref<1x1xf32, #tpu.memory_space<vmem>>, %arg16: memref<1024x1xf32, #tpu.memory_space<vmem>>) attributes {dimension_semantics = [#tpu.dimension_semantics<arbitrary>], iteration_bounds = array<i64: 16>, scalar_prefetch = 0 : i64, scratch_operands = 0 : i64, tpu.core_type = #tpu.core_type<tc>, window_params = [{transform_indices = @transform_0, window_bounds = array<i64: 1024, 128>}, {transform_indices = @transform_1, window_bounds = array<i64: 1024, 128>}, {transform_indices = @transform_2, window_bounds = array<i64: 1024, 8>}, {transform_indices = @transform_3, window_bounds = array<i64: 1024, 4>}, {pipeline_mode = #tpu.pipeline_mode<synchronous>, transform_indices = @transform_4, window_bounds = array<i64: 32, 16>}, {pipeline_mode = #tpu.pipeline_mode<synchronous>, transform_indices = @transform_5, window_bounds = array<i64: 16, 128>}, {pipeline_mode = #tpu.pipeline_mode<synchronous>, transform_indices = @transform_6, window_bounds = array<i64: 128, 128>}, {pipeline_mode = #tpu.pipeline_mode<synchronous>, transform_indices = @transform_7, window_bounds = array<i64: 128, 128>}, {pipeline_mode = #tpu.pipeline_mode<synchronous>, transform_indices = @transform_8, window_bounds = array<i64: 8, 128>}, {pipeline_mode = #tpu.pipeline_mode<synchronous>, transform_indices = @transform_9, window_bounds = array<i64: 1, 128>}, {pipeline_mode = #tpu.pipeline_mode<synchronous>, transform_indices = @transform_10, window_bounds = array<i64: 128, 64>}, {pipeline_mode = #tpu.pipeline_mode<synchronous>, transform_indices = @transform_11, window_bounds = array<i64: 1, 64>}, {pipeline_mode = #tpu.pipeline_mode<synchronous>, transform_indices = @transform_12, window_bounds = array<i64: 64, 1>}, {pipeline_mode = #tpu.pipeline_mode<synchronous>, transform_indices = @transform_13, window_bounds = array<i64: 128, 1>}, {pipeline_mode = #tpu.pipeline_mode<synchronous>, transform_indices = @transform_14, window_bounds = array<i64: 1, 1>}, {transform_indices = @transform_15, window_bounds = array<i64: 1024, 1>}]} {
    %get3A = arith.constant 0 : index
    %get3A_0 = arith.constant 0 : index
    %get3A_1 = vector.load %arg1[%get3A, %get3A_0] : memref<1024x128xf32, #tpu.memory_space<vmem>>, vector<1024x128xf32>
    %get3A_2 = arith.constant 0 : index
    %get3A_3 = arith.constant 0 : index
    %get3A_4 = vector.load %arg2[%get3A_2, %get3A_3] : memref<1024x128xf32, #tpu.memory_space<vmem>>, vector<1024x128xf32>
    %get3A_5 = arith.constant 0 : index
    %get3A_6 = arith.constant 0 : index
    %get3A_7 = vector.load %arg7[%get3A_5, %get3A_6] : memref<128x128xf32, #tpu.memory_space<vmem>>, vector<128x128xf32>
    %dot_general3A = arith.constant dense<0.000000e+00> : vector<1024x128xf32>
    %dot_general3A_8 = tpu.matmul %get3A_1, %get3A_7, %dot_general3A {dimension_numbers = #tpu.dot_dimension_numbers<[1], [0], [0], [1], [0, 0, 1, 1], [], []>, transpose_lhs_hint = false} : vector<1024x128xf32>, vector<128x128xf32>, vector<1024x128xf32> -> vector<1024x128xf32>
    %get3A_9 = arith.constant 0 : index
    %get3A_10 = arith.constant 0 : index
    %get3A_11 = vector.load %arg8[%get3A_9, %get3A_10] : memref<128x128xf32, #tpu.memory_space<vmem>>, vector<128x128xf32>
    %dot_general3A_12 = arith.constant dense<0.000000e+00> : vector<1024x128xf32>
    %dot_general3A_13 = tpu.matmul %get3A_4, %get3A_11, %dot_general3A_12 {dimension_numbers = #tpu.dot_dimension_numbers<[1], [0], [0], [1], [0, 0, 1, 1], [], []>, transpose_lhs_hint = false} : vector<1024x128xf32>, vector<128x128xf32>, vector<1024x128xf32> -> vector<1024x128xf32>
    %add3A = arith.addf %dot_general3A_8, %dot_general3A_13 : vector<1024x128xf32>
    %get3A_14 = arith.constant 0 : index
    %get3A_15 = arith.constant 0 : index
    %get3A_16 = vector.load %arg3[%get3A_14, %get3A_15] : memref<1024x8xf32, #tpu.memory_space<vmem>>, vector<1024x8xf32>
    %get3A_17 = arith.constant 0 : index
    %get3A_18 = arith.constant 0 : index
    %get3A_19 = vector.load %arg9[%get3A_17, %get3A_18] : memref<8x128xf32, #tpu.memory_space<vmem>>, vector<8x128xf32>
    %dot_general3A_20 = arith.constant dense<0.000000e+00> : vector<1024x128xf32>
    %dot_general3A_21 = tpu.matmul %get3A_16, %get3A_19, %dot_general3A_20 {dimension_numbers = #tpu.dot_dimension_numbers<[1], [0], [0], [1], [0, 0, 1, 1], [], []>, transpose_lhs_hint = false} : vector<1024x8xf32>, vector<8x128xf32>, vector<1024x128xf32> -> vector<1024x128xf32>
    %add3A_22 = arith.addf %add3A, %dot_general3A_21 : vector<1024x128xf32>
    %get3A_23 = arith.constant 0 : index
    %get3A_24 = arith.constant 0 : index
    %get3A_25 = vector.load %arg10[%get3A_23, %get3A_24] : memref<1x128xf32, #tpu.memory_space<vmem>>, vector<1x128xf32>
    %add3A_26 = vector.broadcast %get3A_25 : vector<1x128xf32> to vector<1024x128xf32>
    %add3A_27 = arith.addf %add3A_22, %add3A_26 : vector<1024x128xf32>
    %iota3A = tpu.iota {dimensions = array<i32: 1>} : vector<1024x32xi32>
    %get3A_28 = arith.constant 0 : index
    %get3A_29 = arith.constant 0 : index
    %get3A_30 = vector.load %arg4[%get3A_28, %get3A_29] : memref<1024x4xi32, #tpu.memory_space<vmem>>, vector<1024x4xi32>
    %slice3A = vector.extract_strided_slice %get3A_30 {offsets = [0, 0], sizes = [1024, 1], strides = [1, 1]} : vector<1024x4xi32> to vector<1024x1xi32>
    %squeeze3A = vector.shape_cast %slice3A : vector<1024x1xi32> to vector<1024xi32>
    %broadcast_in_dim3A = vector.shape_cast %squeeze3A : vector<1024xi32> to vector<1024x1xi32>
    %eq3A = vector.broadcast %broadcast_in_dim3A : vector<1024x1xi32> to vector<1024x32xi32>
    %eq3A_31 = arith.cmpi eq, %iota3A, %eq3A : vector<1024x32xi32>
    %convert_element_type3A = arith.extui %eq3A_31 : vector<1024x32xi1> to vector<1024x32xi32>
    %convert_element_type3A_32 = arith.sitofp %convert_element_type3A : vector<1024x32xi32> to vector<1024x32xf32>
    %slice3A_33 = vector.extract_strided_slice %get3A_30 {offsets = [0, 1], sizes = [1024, 1], strides = [1, 1]} : vector<1024x4xi32> to vector<1024x1xi32>
    %squeeze3A_34 = vector.shape_cast %slice3A_33 : vector<1024x1xi32> to vector<1024xi32>
    %broadcast_in_dim3A_35 = vector.shape_cast %squeeze3A_34 : vector<1024xi32> to vector<1024x1xi32>
    %eq3A_36 = vector.broadcast %broadcast_in_dim3A_35 : vector<1024x1xi32> to vector<1024x32xi32>
    %eq3A_37 = arith.cmpi eq, %iota3A, %eq3A_36 : vector<1024x32xi32>
    %convert_element_type3A_38 = arith.extui %eq3A_37 : vector<1024x32xi1> to vector<1024x32xi32>
    %convert_element_type3A_39 = arith.sitofp %convert_element_type3A_38 : vector<1024x32xi32> to vector<1024x32xf32>
    %add3A_40 = arith.addf %convert_element_type3A_32, %convert_element_type3A_39 : vector<1024x32xf32>
    %slice3A_41 = vector.extract_strided_slice %get3A_30 {offsets = [0, 2], sizes = [1024, 1], strides = [1, 1]} : vector<1024x4xi32> to vector<1024x1xi32>
    %squeeze3A_42 = vector.shape_cast %slice3A_41 : vector<1024x1xi32> to vector<1024xi32>
    %broadcast_in_dim3A_43 = vector.shape_cast %squeeze3A_42 : vector<1024xi32> to vector<1024x1xi32>
    %eq3A_44 = vector.broadcast %broadcast_in_dim3A_43 : vector<1024x1xi32> to vector<1024x32xi32>
    %eq3A_45 = arith.cmpi eq, %iota3A, %eq3A_44 : vector<1024x32xi32>
    %convert_element_type3A_46 = arith.extui %eq3A_45 : vector<1024x32xi1> to vector<1024x32xi32>
    %convert_element_type3A_47 = arith.sitofp %convert_element_type3A_46 : vector<1024x32xi32> to vector<1024x32xf32>
    %add3A_48 = arith.addf %add3A_40, %convert_element_type3A_47 : vector<1024x32xf32>
    %get3A_49 = arith.constant 0 : index
    %get3A_50 = arith.constant 0 : index
    %get3A_51 = vector.load %arg5[%get3A_49, %get3A_50] : memref<32x16xf32, #tpu.memory_space<vmem>>, vector<32x16xf32>
    %get3A_52 = arith.constant 0 : index
    %get3A_53 = arith.constant 0 : index
    %get3A_54 = vector.load %arg6[%get3A_52, %get3A_53] : memref<16x128xf32, #tpu.memory_space<vmem>>, vector<16x128xf32>
    %dot_general3A_55 = arith.constant dense<0.000000e+00> : vector<32x128xf32>
    %dot_general3A_56 = tpu.matmul %get3A_51, %get3A_54, %dot_general3A_55 {dimension_numbers = #tpu.dot_dimension_numbers<[1], [0], [0], [1], [0, 0, 1, 1], [], []>, transpose_lhs_hint = false} : vector<32x16xf32>, vector<16x128xf32>, vector<32x128xf32> -> vector<32x128xf32>
    %dot_general3A_57 = arith.constant dense<0.000000e+00> : vector<1024x128xf32>
    %dot_general3A_58 = tpu.matmul %add3A_48, %dot_general3A_56, %dot_general3A_57 {dimension_numbers = #tpu.dot_dimension_numbers<[1], [0], [0], [1], [0, 0, 1, 1], [], []>, transpose_lhs_hint = false} : vector<1024x32xf32>, vector<32x128xf32>, vector<1024x128xf32> -> vector<1024x128xf32>
    %add3A_59 = arith.addf %add3A_27, %dot_general3A_58 : vector<1024x128xf32>
    %max3A = arith.constant 0.000000e+00 : f32
    %max3A_60 = vector.broadcast %max3A : f32 to vector<1024x128xf32>
    %max3A_61 = arith.maximumf %add3A_59, %max3A_60 : vector<1024x128xf32>
    %get3A_62 = arith.constant 0 : index
    %get3A_63 = arith.constant 0 : index
    %get3A_64 = vector.load %arg11[%get3A_62, %get3A_63] : memref<128x64xf32, #tpu.memory_space<vmem>>, vector<128x64xf32>
    %dot_general3A_65 = arith.constant dense<0.000000e+00> : vector<1024x64xf32>
    %dot_general3A_66 = tpu.matmul %max3A_61, %get3A_64, %dot_general3A_65 {dimension_numbers = #tpu.dot_dimension_numbers<[1], [0], [0], [1], [0, 0, 1, 1], [], []>, transpose_lhs_hint = false} : vector<1024x128xf32>, vector<128x64xf32>, vector<1024x64xf32> -> vector<1024x64xf32>
    %get3A_67 = arith.constant 0 : index
    %get3A_68 = arith.constant 0 : index
    %get3A_69 = vector.load %arg12[%get3A_67, %get3A_68] : memref<1x64xf32, #tpu.memory_space<vmem>>, vector<1x64xf32>
    %add3A_70 = vector.broadcast %get3A_69 : vector<1x64xf32> to vector<1024x64xf32>
    %add3A_71 = arith.addf %dot_general3A_66, %add3A_70 : vector<1024x64xf32>
    %max3A_72 = arith.constant 0.000000e+00 : f32
    %max3A_73 = vector.broadcast %max3A_72 : f32 to vector<1024x64xf32>
    %max3A_74 = arith.maximumf %add3A_71, %max3A_73 : vector<1024x64xf32>
    %get3A_75 = arith.constant 0 : index
    %get3A_76 = arith.constant 0 : index
    %get3A_77 = vector.load %arg13[%get3A_75, %get3A_76] : memref<64x1xf32, #tpu.memory_space<vmem>>, vector<64x1xf32>
    %dot_general3A_78 = arith.constant dense<0.000000e+00> : vector<1024x1xf32>
    %dot_general3A_79 = tpu.matmul %max3A_74, %get3A_77, %dot_general3A_78 {dimension_numbers = #tpu.dot_dimension_numbers<[1], [0], [0], [1], [0, 0, 1, 1], [], []>, transpose_lhs_hint = false} : vector<1024x64xf32>, vector<64x1xf32>, vector<1024x1xf32> -> vector<1024x1xf32>
    %mul3A = arith.mulf %get3A_1, %get3A_4 : vector<1024x128xf32>
    %get3A_80 = arith.constant 0 : index
    %get3A_81 = arith.constant 0 : index
    %get3A_82 = vector.load %arg14[%get3A_80, %get3A_81] : memref<128x1xf32, #tpu.memory_space<vmem>>, vector<128x1xf32>
    %dot_general3A_83 = arith.constant dense<0.000000e+00> : vector<1024x1xf32>
    %dot_general3A_84 = tpu.matmul %mul3A, %get3A_82, %dot_general3A_83 {dimension_numbers = #tpu.dot_dimension_numbers<[1], [0], [0], [1], [0, 0, 1, 1], [], []>, transpose_lhs_hint = false} : vector<1024x128xf32>, vector<128x1xf32>, vector<1024x1xf32> -> vector<1024x1xf32>
    %add3A_85 = arith.addf %dot_general3A_79, %dot_general3A_84 : vector<1024x1xf32>
    %get3A_86 = arith.constant 0 : index
    %get3A_87 = arith.constant 0 : index
    %get3A_88 = vector.load %arg15[%get3A_86, %get3A_87] : memref<1x1xf32, #tpu.memory_space<vmem>>, vector<1x1xf32>
    %add3A_89 = vector.broadcast %get3A_88 : vector<1x1xf32> to vector<1024x1xf32>
    %add3A_90 = arith.addf %add3A_85, %add3A_89 : vector<1024x1xf32>
    %swap3A = arith.constant 0 : index
    %swap3A_91 = arith.constant 0 : index
    %swap3A_92 = vector.load %arg16[%swap3A, %swap3A_91] : memref<1024x1xf32, #tpu.memory_space<vmem>>, vector<1024x1xf32>
    tpu.vector_store %arg16[%swap3A, %swap3A_91], %add3A_90 {strides = array<i32>} : memref<1024x1xf32, #tpu.memory_space<vmem>>, vector<1024x1xf32>,
    return
  }
  func.func @transform_0(%arg0: i32) -> (i32, i32) {
    %c0_i32 = arith.constant 0 : i32
    %c0_i32_0 = arith.constant 0 : i32
    return %arg0, %c0_i32 : i32, i32
  }
  func.func @transform_1(%arg0: i32) -> (i32, i32) {
    %c0_i32 = arith.constant 0 : i32
    %c0_i32_0 = arith.constant 0 : i32
    return %arg0, %c0_i32 : i32, i32
  }
  func.func @transform_2(%arg0: i32) -> (i32, i32) {
    %c0_i32 = arith.constant 0 : i32
    %c0_i32_0 = arith.constant 0 : i32
    return %arg0, %c0_i32 : i32, i32
  }
  func.func @transform_3(%arg0: i32) -> (i32, i32) {
    %c0_i32 = arith.constant 0 : i32
    %c0_i32_0 = arith.constant 0 : i32
    return %arg0, %c0_i32 : i32, i32
  }
  func.func @transform_4(%arg0: i32) -> (i32, i32) {
    %c0_i32 = arith.constant 0 : i32
    %c0_i32_0 = arith.constant 0 : i32
    %c0_i32_1 = arith.constant 0 : i32
    return %c0_i32, %c0_i32_0 : i32, i32
  }
  func.func @transform_5(%arg0: i32) -> (i32, i32) {
    %c0_i32 = arith.constant 0 : i32
    %c0_i32_0 = arith.constant 0 : i32
    %c0_i32_1 = arith.constant 0 : i32
    return %c0_i32, %c0_i32_0 : i32, i32
  }
  func.func @transform_6(%arg0: i32) -> (i32, i32) {
    %c0_i32 = arith.constant 0 : i32
    %c0_i32_0 = arith.constant 0 : i32
    %c0_i32_1 = arith.constant 0 : i32
    return %c0_i32, %c0_i32_0 : i32, i32
  }
  func.func @transform_7(%arg0: i32) -> (i32, i32) {
    %c0_i32 = arith.constant 0 : i32
    %c0_i32_0 = arith.constant 0 : i32
    %c0_i32_1 = arith.constant 0 : i32
    return %c0_i32, %c0_i32_0 : i32, i32
  }
  func.func @transform_8(%arg0: i32) -> (i32, i32) {
    %c0_i32 = arith.constant 0 : i32
    %c0_i32_0 = arith.constant 0 : i32
    %c0_i32_1 = arith.constant 0 : i32
    return %c0_i32, %c0_i32_0 : i32, i32
  }
  func.func @transform_9(%arg0: i32) -> (i32, i32) {
    %c0_i32 = arith.constant 0 : i32
    %c0_i32_0 = arith.constant 0 : i32
    %c0_i32_1 = arith.constant 0 : i32
    return %c0_i32, %c0_i32_0 : i32, i32
  }
  func.func @transform_10(%arg0: i32) -> (i32, i32) {
    %c0_i32 = arith.constant 0 : i32
    %c0_i32_0 = arith.constant 0 : i32
    %c0_i32_1 = arith.constant 0 : i32
    return %c0_i32, %c0_i32_0 : i32, i32
  }
  func.func @transform_11(%arg0: i32) -> (i32, i32) {
    %c0_i32 = arith.constant 0 : i32
    %c0_i32_0 = arith.constant 0 : i32
    %c0_i32_1 = arith.constant 0 : i32
    return %c0_i32, %c0_i32_0 : i32, i32
  }
  func.func @transform_12(%arg0: i32) -> (i32, i32) {
    %c0_i32 = arith.constant 0 : i32
    %c0_i32_0 = arith.constant 0 : i32
    %c0_i32_1 = arith.constant 0 : i32
    return %c0_i32, %c0_i32_0 : i32, i32
  }
  func.func @transform_13(%arg0: i32) -> (i32, i32) {
    %c0_i32 = arith.constant 0 : i32
    %c0_i32_0 = arith.constant 0 : i32
    %c0_i32_1 = arith.constant 0 : i32
    return %c0_i32, %c0_i32_0 : i32, i32
  }
  func.func @transform_14(%arg0: i32) -> (i32, i32) {
    %c0_i32 = arith.constant 0 : i32
    %c0_i32_0 = arith.constant 0 : i32
    %c0_i32_1 = arith.constant 0 : i32
    return %c0_i32, %c0_i32_0 : i32, i32
  }
  func.func @transform_15(%arg0: i32) -> (i32, i32) {
    %c0_i32 = arith.constant 0 : i32
    %c0_i32_0 = arith.constant 0 : i32
    return %arg0, %c0_i32 : i32, i32
  }
}

</mosaic_0001>

<sc_bundles>
// kernel: kernel.5.cloned.1.call-start
scs
__scs_entry_jumppad:
0x0: {  	(pc) =	sbr.rel $0x88, $3  }
0x1: {  	(tag) =	ssettag $0x0;
	lr =	simm.s32 $0x1  }
0x2: {  	[smem:$0x3F8B] =	sst lr;
	_ =	strace $0xD0000000  }
0x3: {  	_ = 	snop  }
0x4: {  	_ = 	snop  }
0x5: {  	_ = 	snop  }
0x6: {  	_ = 	snop  }
0x7: {  	_ = 	snop  }
__scs_overlays_trampoline_lowered:
0x8: {  	[smem:$0x3F9A] =	sst s0  }
0x9: {  	[smem:$0x3F9B] =	sst s1  }
0xa: {  	[smem:$0x3F9C] =	sst s2  }
0xb: {  	[smem:$0x3F9D] =	sst s3  }
0xc: {  	[smem:$0x3F9E] =	sst s4  }
0xd: {  	[smem:$0x3F9F] =	sst s5  }
0xe: {  	[smem:$0x3FA0] =	sst s6  }
0xf: {  	[smem:$0x3FA1] =	sst s7  }
0x10: {  	[smem:$0x3FA2] =	sst s8  }
0x11: {  	[smem:$0x3FA3] =	sst s9;
	s0 =	simm.s32 @!p0 $0x0  }
0x12: {  	s1 =	sld [smem:$0x3F89];
	s0 =	simm.s32 @p0 $0x1  }
0x13: {  	[smem:$0x3FA4] =	sst s0;
	s0 =	simm.s32 @!p1 $0x0  }
0x14: {  	s2 =	sld [smem:$0x3F88];
	s0 =	simm.s32 @p1 $0x1  }
0x15: {  	[smem:$0x3FA5] =	sst s0;
	s0 =	simm.s32 @!p2 $0x0  }
0x16: {  	s3 =	sld [smem:$0x3FDB];
	s0 =	simm.s32 @p2 $0x1  }
0x17: {  	s4 =	simm.s32 $0x1BF5;
	[smem:$0x3FA7] =	sst s0  }
0x18: {  	s0 =	sld [smem:$0x3F8A];
	_ =	swait.ge [sflag:s4], $0x0  }
0x19: {  	s7 =	sld [smem:$0x3F8B]  }
0x1a: {  	s8 =	sadd.s32 $0xFFFFE003, lr  }
0x1b: {  	s9 =	sadd.s32 $0xFFFFFEF7, lr;
	s5 =	simm.s32 $0xFFFFFFFF;
	p2 =	slt.u32 s8, $0xFFFFF086  }
0x1c: {  	p1 =	slt.u32 s9, $0xF7A;
	s5 =	simm.s32 @!p2 $0x0  }
0x1d: {  	s5 =	simm.s32 @p1 $0x1;
	p0 =	seq.s32 s7, s2  }
0x1e: {  	s7 =	smul.u32 @!p0 $0xF7A, s2;
	p2 =	seq.s32 @!p0 s5, $0x0  }
0x1f: {  	s9 =	smul.u32 $0xF7A, s1;
	s8 =	simm.s32 @!p0 $0x1BF5;
	p2 =	por !p2, p0  }
0x20: {  	[sflag:s8] =	ssyncset.s32 @!p0 $0xFFFFF086;
	s6 =	sadd.s32 @!p0 s3, s7;
	s7 =	simm.s32 @!p0 $0x108  }
0x21: {  	s3 =	sadd.s32 s3, s9;
	s6 =	sadd.s32 @!p0 $0x88, s6;
	s7 =	simm.s32 @p2 $0x1082  }
0x22: {  	[simem:s7], [sflag:s8] =	dma.local @!p0 [hbm:s6], $0xF7A  }
0x23: {  	s9 =	sor.u32 $0xD0000000, s2;
	s6 =	simm.s32 $0x108;
	_ =	swait.ge @!p0 [sflag:s8], $0x0  }
0x24: {  	s3 =	sadd.s32 $0x88, s3;
	s6 =	simm.s32 @!p1 $0x1082;
	[sflag:s4] =	ssyncset.s32 $0xFFFFF086  }
0x25: {  	[simem:s6], [sflag:s4] =	dma.local [hbm:s3], $0xF7A  }
0x26: {  	[smem:$0x3F8B] =	sst s1;
	(tag) =	ssettag s2;
	_ =	strace s9  }
0x27: {  	s1 =	sld [smem:$0x3F9B]  }
0x28: {  	s2 =	sld [smem:$0x3F9C]  }
0x29: {  	s4 =	sld [smem:$0x3F9E]  }
0x2a: {  	p0 =	seq.s32 s5, $0x0;
	s5 =	sld [smem:$0x3F9F]  }
0x2b: {  	s6 =	sld [smem:$0x3FA0]  }
0x2c: {  	s7 =	sld [smem:$0x3FA1]  }
0x2d: {  	s3 =	simm.s32 $0x108;
	s8 =	sld [smem:$0x3FA2]  }
0x2e: {  	s3 =	simm.s32 @!p0 $0x1082;
	s9 =	sld [smem:$0x3FA3]  }
0x2f: {  	lr =	sadd.s32 s0, s3;
	s0 =	sld [smem:$0x3F9A]  }
0x30: {  	s3 =	sld [smem:$0x3F9D]  }
0x31: {  	[smem:$0x3FA6] =	sst s10  }
0x32: {  	s10 =	sld [smem:$0x3FA4];
	_ =	sdelay $0x3  }
0x33: {  	p0 =	seq.s32 s10, $0x1;
	s10 =	sld [smem:$0x3FA6];
	_ =	sdelay $0x3  }
0x34: {  	[smem:$0x3FA6] =	sst s10  }
0x35: {  	s10 =	sld [smem:$0x3FA5];
	_ =	sdelay $0x3  }
0x36: {  	p1 =	seq.s32 s10, $0x1;
	s10 =	sld [smem:$0x3FA6];
	_ =	sdelay $0x3  }
0x37: {  	[smem:$0x3FA6] =	sst s10  }
0x38: {  	s10 =	sld [smem:$0x3FA7]  }
0x39: {  	_ = 	snop;
	(pc) =	sbr.ind lr, $3  }
0x3a: {  	_ = 	snop  }
0x3b: {  	_ = 	snop  }
0x3c: {  	p2 =	seq.s32 s10, $0x1;
	s10 =	sld [smem:$0x3FA6]  }
0x3d: {  	_ =	shalt  }
0x3e: {  	_ =	shalt  }
0x3f: {  	_ =	shalt  }
0x40: {  	_ =	shalt  }
0x41: {  	_ =	shalt  }
0x42: {  	_ =	shalt  }
0x43: {  	_ =	shalt  }
0x44: {  	_ =	shalt  }
0x45: {  	_ =	shalt  }
0x46: {  	_ =	shalt  }
0x47: {  	_ =	shalt  }
0x48: {  	_ =	shalt  }
0x49: {  	_ =	shalt  }
0x4a: {  	_ =	shalt  }
0x4b: {  	_ =	shalt  }
0x4c: {  	_ =	shalt  }
0x4d: {  	_ =	shalt  }
0x4e: {  	_ =	shalt  }
0x4f: {  	_ =	shalt  }
0x50: {  	_ =	shalt  }
0x51: {  	_ =	shalt  }
0x52: {  	_ =	shalt  }
0x53: {  	_ =	shalt  }
0x54: {  	_ =	shalt  }
0x55: {  	_ =	shalt  }
0x56: {  	_ =	shalt  }
0x57: {  	_ =	shalt  }
0x58: {  	_ =	shalt  }
0x59: {  	_ =	shalt  }
0x5a: {  	_ =	shalt  }
0x5b: {  	_ =	shalt  }
0x5c: {  	_ =	shalt  }
0x5d: {  	_ =	shalt  }
0x5e: {  	_ =	shalt  }
0x5f: {  	_ =	shalt  }
0x60: {  	_ =	shalt  }
0x61: {  	_ =	shalt  }
0x62: {  	_ =	shalt  }
0x63: {  	_ =	shalt  }
0x64: {  	_ =	shalt  }
0x65: {  	_ =	shalt  }
0x66: {  	_ =	shalt  }
0x67: {  	_ =	shalt  }
0x68: {  	_ =	shalt  }
0x69: {  	_ =	shalt  }
0x6a: {  	_ =	shalt  }
0x6b: {  	_ =	shalt  }
0x6c: {  	_ =	shalt  }
0x6d: {  	_ =	shalt  }
0x6e: {  	_ =	shalt  }
0x6f: {  	_ =	shalt  }
0x70: {  	_ =	shalt  }
0x71: {  	_ =	shalt  }
0x72: {  	_ =	shalt  }
0x73: {  	_ =	shalt  }
0x74: {  	_ =	shalt  }
0x75: {  	_ =	shalt  }
0x76: {  	_ =	shalt  }
0x77: {  	_ =	shalt  }
0x78: {  	_ =	shalt  }
0x79: {  	_ =	shalt  }
0x7a: {  	_ =	shalt  }
0x7b: {  	_ =	shalt  }
0x7c: {  	_ =	shalt  }
0x7d: {  	_ =	shalt  }
0x7e: {  	_ =	shalt  }
0x7f: {  	_ =	shalt  }
0x80: {  	_ =	shalt  }
0x81: {  	_ =	shalt  }
0x82: {  	_ =	shalt  }
0x83: {  	_ =	shalt  }
0x84: {  	_ =	shalt  }
0x85: {  	_ =	shalt  }
0x86: {  	_ =	shalt  }
0x87: {  	_ =	shalt  }
.Lfunc_end0:
.L_simem_size_0:
called_computation_lowered:
.L_overlay_start_0:
0x88: {  	s2 =	sld [smem:$0x3FD9]  }
0x89: {  	s3 =	sld [smem:$0x3FFE];
	_ =	sdelay $0x1  }
0x8a: {  	s1 =	srdreg.scid  }
0x8b: {  	s0 =	sand.u32 $0x1, s1  }
0x8c: {  	s17 =	sshll.u32 s0, $0xA;
	s2 =	sadd.s32 s3, s2  }
0x8d: {  	s2 =	sadd.s32 s2, s17  }
0x8e: {  	[smem:$0x3FB2] =	sst s2  }
0x8f: {  	_ = 	snop  }
0x90: {  	s2 =	sld [smem:$0x3FC9]  }
0x91: {  	s18 =	sld [smem:$0x3FC8];
	(tm) =	ssettm $0x1  }
0x92: {  	s4 =	sld [smem:$0x3FFB];
	_ =	sdelay $0x3  }
0x93: {  	_ =	strace s4  }
0x94: {  	s4 =	sld [smem:$0x3FFC];
	_ =	sdelay $0x3  }
0x95: {  	_ =	strace s4  }
0x96: {  	s4 =	sld [smem:$0x3FFD];
	_ =	sdelay $0x3  }
0x97: {  	_ =	strace s4  }
0x98: {  	_ =	strace $0x8FFFFFFF  }
0x99: {  	s19 =	sld [smem:$0x3FDB];
	_ =	sdelay $0x1  }
0x9a: {  	s5 =	simm.s32 $_scs_section_size  }
0x9b: {  	s6 =	simm.s32 $_size__tile_overlayer_lowered;
	s7 =	simm.s32 $_tile_overlayer_lowered  }
0x9c: {  	s22 =	simm.s32 $0x1BFF;
	s21 =	sshll.u32 s7, $0x1;
	s4 =	sadd.s32 s5, s19  }
0x9d: {  	s8 =	simm.s32 $0x0;
	s20 =	sshll.u32 s6, $0x1;
	s6 =	sadd.s32 s21, s4  }
0x9e: {  	[timem:s8], [sflag:s22] =	dma.local [hbm:s6], s20  }
0x9f: {  	_ =	swait.ge [sflag:s22], s20  }
0xa0: {  	s5 =	ssub.s32 $0x0, s20;
	[sflag:s22] =	ssyncset.done $0x0  }
0xa1: {  	[sflag:s22] =	ssyncadd.s32 s5;
	_ =	sdelay $0x1  }
0xa2: {  	s23 =	simm.s32 $0x1B8B  }
0xa3: {  	_ =	swait.ge [sflag:s23], $0x1  }
0xa4: {  	[sflag:s23] =	ssyncset.done $0x0  }
0xa5: {  	s25 =	simm.s32 $0x1B8E;
	s24 =	sld [smem:$0x3FFE];
	[sflag:s23] =	ssyncadd.s32 $0xFFFFFFFF  }
0xa6: {  	s26 =	simm.s32 $execute0_lowered;
	[smem:$0x3FD2] =	sst s25  }
0xa7: {  	s6 =	sshll.u32 s26, $0x1;
	_ =	strace $0x80000046;
	[dreg:$0x1] =	wrdreg $0xFFFFFFFF  }
0xa8: {  	s28 =	simm.s32 $_size_execute0_lowered;
	s4 =	sadd.s32 s4, s6;
	[dreg:$0x0] =	wrdreg $0x0  }
0xa9: {  	s6 =	sshll.u32 s28, $0x1;
	[dreg:$0x2] =	wrdreg s4  }
0xaa: {  	[dreg:$0x3] =	wrdreg s6  }
0xab: {  	[dreg:$0x4] =	wrdreg $0xC0  }
0xac: {  	_ =	task [dreg:s8], $0x5FFFF  }
0xad: {  	[dreg:$0x1] =	wrdreg $0xFFFFFFFF  }
0xae: {  	[dreg:$0x0] =	wrdreg $0x60  }
0xaf: {  	[dreg:$0x2] =	wrdreg s24  }
0xb0: {  	[dreg:$0x3] =	wrdreg s2  }
0xb1: {  	[dreg:$0x4] =	wrdreg s18  }
0xb2: {  	[dreg:$0x5] =	wrdreg $0x9  }
0xb3: {  	_ =	task.clear_ibuf [dreg:s8], $0x6FFFF;
	_ =	strace $0x90000046  }
0xb4: {  	s29 =	simm.s32 $0x9;
	_ =	strace $0x80000048  }
0xb5: {  	_ =	swait.ge [sflag:s29], $0x1  }
0xb6: {  	[sflag:s29] =	ssyncadd.s32 $0xFFFFFFFF  }
0xb7: {  	_ =	strace $0x90000048  }
0xb8: {  	_ =	sfence  }
0xb9: {  	s30 =	sld [smem:$0x0];
	_ =	sdelay $0x2  }
0xba: {  	s31 =	sshll.u32 s1, $0xD;
	s1 =	sshrl.u32 s1, $0x2  }
0xbb: {  	s3 =	sand.u32 $0x4000, s31;
	s1 =	sadd.s32 s1, s30  }
0xbc: {  	s0 =	sor.u32 s3, s0;
	s1 =	sshll.u32 s1, $0x11  }
0xbd: {  	s0 =	sor.u32 s1, s0  }
0xbe: {  	s0 =	sadd.s32 $0x8F2B, s0  }
0xbf: {  	[sflag:s0] =	ssyncadd.remote.s32 $0x1  }
0xc0: {  	_ =	sfence.sel $0xFFFF  }
0xc1: {  	[dreg:$0x0] =	wrdreg $0xFFFFFFFF;
	(pc) =	sbr.abs _section_cstart, $3  }
0xc2: {  	[dreg:$0x1] =	wrdreg $0xFFFFFFFF  }
0xc3: {  	_ =	task.clear_ibuf [dreg:s8], $0x2FFFF;
	_ =	strace $0x9FFFFFFF  }
0xc4: {  	(tm) =	ssettm $0x7FFFFFFF  }
0xc5: {  	_ =	shalt  }
tec
execute0_lowered:
.L_overlay_start_1:
0x0: {  	(tag) =	ssettag $0x1  }
0x1: {  	s17 =	rddreg [dreg:$0x0];
	s1 =	srdreg.scid  }
0x2: {  	s3 =	rddreg [dreg:$0x1];
	s0 =	stileid.u32;
	s22 =	sand.u32 $0x1, s1  }
0x3: {  	s5 =	rddreg [dreg:$0x2];
	s4 =	sshll.u32 s0, $0xA;
	s6 =	sshll.u32 s22, $0x9  }
0x4: {  	s2 =	simm.s32 $0x0;
	s1 =	rddreg [dreg:$0x3];
	s16 =	sor.u32 s6, s4  }
0x5: {  	[smem:$0x7FF] =	sst s2;
	s6 =	sshrl.u32 s16, $0x3  }
0x6: {  	_ =	strace $0x80000047;
	s4 =	sadd.s32 s3, s6;
	s3 =	simm.s32 $0x2  }
0x7: {  	[tilespmem:s2], [sflag:$0x2] =	stream.linear.gather [hbm4b:s4+s2], $0x200, $0x38;
	[tilespmem:$0x10400] =	vst v63  }
0x8: {  	_ =	swait.ge [sflag:s3], $0x200  }
0x9: {  	[sflag:s3] =	ssyncset.done $0x0  }
0xa: {  	s5 =	sadd.s32 s5, s6;
	s6 =	simm.s32 $0x200;
	[sflag:s3] =	ssyncadd.s32 $0xFFFFFE00  }
0xb: {  	[tilespmem:s6], [sflag:$0x2] =	stream.linear.gather [hbm4b:s5+s2], $0x200, $0x38;
	[tilespmem:$0x10400] =	vst v63  }
0xc: {  	_ =	swait.ge [sflag:s3], $0x200  }
0xd: {  	s8 =	simm.s32 $0x80;
	[sflag:s3] =	ssyncset.done $0x0  }
0xe: {  	s9 =	simm.s32 $0x400;
	s7 =	sadd.s32 $0x2A00, s17;
	[sflag:s3] =	ssyncadd.s32 $0xFFFFFE00  }
0xf: {  	[tilespmem:s9], [sflag:$0x1] =	stream.indirect.gather [hbm4b:s7+s8], $0x80, s2, s8, $0xb8;
	[tilespmem:$0x10400] =	vst v63  }
0x10: {  	s11 =	simm.s32 $0x8400;
	s10 =	sadd.s32 $0x189400, s17  }
0x11: {  	[tilespmem:s11], [sflag:$0x1] =	stream.indirect.gather [hbm4b:s10+s8], $0x80, s6, s8, $0xb8;
	[tilespmem:$0x10400] =	vst v63  }
0x12: {  	s12 =	simm.s32 $0x4400  }
0x13: {  	[tilespmem:s12], [sflag:$0x1] =	stream.indirect.gather [hbm4b:s7+s8], $0x80, s8, s8, $0xb8;
	[tilespmem:$0x10400] =	vst v63  }
0x14: {  	s13 =	simm.s32 $0x280;
	s14 =	simm.s32 $0xC400;
	s15 =	simm.s32 $0x1  }
0x15: {  	[tilespmem:s14], [sflag:$0x1] =	stream.indirect.gather [hbm4b:s10+s8], $0x80, s13, s8, $0xb8;
	[tilespmem:$0x10400] =	vst v63  }
0x16: {  	_ =	swait.ge [sflag:s15], $0x4000  }
0x17: {  	[sflag:s15] =	ssyncset.done $0x0  }
0x18: {  	[sflag:s15] =	ssyncadd.s32 $0xFFFFC000  }
0x19: {  	_ =	swait.ge [sflag:s15], $0x4000  }
0x1a: {  	[sflag:s15] =	ssyncset.done $0x0  }
0x1b: {  	[sflag:s15] =	ssyncadd.s32 $0xFFFFC000  }
0x1c: {  	_ =	swait.ge [sflag:s15], $0x4000  }
0x1d: {  	[sflag:s15] =	ssyncset.done $0x0  }
0x1e: {  	[sflag:s15] =	ssyncadd.s32 $0xFFFFC000  }
0x1f: {  	_ =	swait.ge [sflag:s15], $0x4000  }
0x20: {  	s23 =	sadd.s32 $0x30FE00, s17;
	s24 =	sshll.u32 s16, $0x4;
	[sflag:s15] =	ssyncset.done $0x0  }
0x21: {  	s16 =	sadd.s32 s23, s24;
	[sflag:s15] =	ssyncadd.s32 $0xFFFFC000  }
0x22: {  	[hbm4b:s16+s2] =	stream.linear.scatter [tilespmem:s9], [sflag:$0x2], $0x8000, $0x38;
	[tilespmem:$0x10400] =	vst v63  }
0x23: {  	_ =	swait.ge [sflag:s3], $0x8000  }
0x24: {  	s25 =	sadd.s32 $0x34FE00, s17;
	[sflag:s3] =	ssyncset.done $0x0  }
0x25: {  	s17 =	sadd.s32 s25, s24;
	[sflag:s3] =	ssyncadd.s32 $0xFFFF8000  }
0x26: {  	[hbm4b:s17+s2] =	stream.linear.scatter [tilespmem:s11], [sflag:$0x2], $0x8000, $0x38;
	[tilespmem:$0x10400] =	vst v63  }
0x27: {  	_ =	swait.ge [sflag:s3], $0x8000  }
0x28: {  	[sflag:s3] =	ssyncset.done $0x0  }
0x29: {  	s18 =	simm.s32 $0x100;
	[sflag:s3] =	ssyncadd.s32 $0xFFFF8000  }
0x2a: {  	[tilespmem:s9], [sflag:$0x1] =	stream.indirect.gather [hbm4b:s7+s8], $0x80, s18, s8, $0xb8;
	[tilespmem:$0x10400] =	vst v63  }
0x2b: {  	s19 =	simm.s32 $0x300  }
0x2c: {  	[tilespmem:s11], [sflag:$0x1] =	stream.indirect.gather [hbm4b:s10+s8], $0x80, s19, s8, $0xb8;
	[tilespmem:$0x10400] =	vst v63  }
0x2d: {  	s20 =	simm.s32 $0x180  }
0x2e: {  	[tilespmem:s12], [sflag:$0x1] =	stream.indirect.gather [hbm4b:s7+s8], $0x80, s20, s8, $0xb8;
	[tilespmem:$0x10400] =	vst v63  }
0x2f: {  	s21 =	simm.s32 $0x380  }
0x30: {  	[tilespmem:s14], [sflag:$0x1] =	stream.indirect.gather [hbm4b:s10+s8], $0x80, s21, s8, $0xb8;
	[tilespmem:$0x10400] =	vst v63  }
0x31: {  	_ =	swait.ge [sflag:s15], $0x4000  }
0x32: {  	[sflag:s15] =	ssyncset.done $0x0  }
0x33: {  	[sflag:s15] =	ssyncadd.s32 $0xFFFFC000  }
0x34: {  	_ =	swait.ge [sflag:s15], $0x4000  }
0x35: {  	[sflag:s15] =	ssyncset.done $0x0  }
0x36: {  	[sflag:s15] =	ssyncadd.s32 $0xFFFFC000  }
0x37: {  	_ =	swait.ge [sflag:s15], $0x4000  }
0x38: {  	[sflag:s15] =	ssyncset.done $0x0  }
0x39: {  	s26 =	ssub.s32 $0x2, s22;
	[sflag:s15] =	ssyncadd.s32 $0xFFFFC000  }
0x3a: {  	s30 =	sshrl.u32 s26, $0x1;
	_ =	swait.ge [sflag:s15], $0x4000  }
0x3b: {  	s26 =	ssub.s32 s26, s30;
	s24 =	sor.u32 $0x1000, s24;
	[sflag:s15] =	ssyncset.done $0x0  }
0x3c: {  	s31 =	smax.u32 s26, $0x1;
	s22 =	sadd.s32 s23, s24;
	[sflag:s15] =	ssyncadd.s32 $0xFFFFC000  }
0x3d: {  	[hbm4b:s22+s2] =	stream.linear.scatter [tilespmem:s9], [sflag:$0x2], $0x8000, $0x38;
	[tilespmem:$0x10400] =	vst v63  }
0x3e: {  	p0 =	sne.s32 s31, $0x1;
	_ =	swait.ge [sflag:s3], $0x8000  }
.Ltmp0:
0x3f: {  	[sflag:s3] =	ssyncset.done $0x0;
	(pc) =	sbr.rel @!p0 .LBB2_2-.Ltmp0, $4  }
0x40: {  	s23 =	sadd.s32 s25, s24;
	[sflag:s3] =	ssyncadd.s32 $0xFFFF8000  }
0x41: {  	[hbm4b:s23+s2] =	stream.linear.scatter [tilespmem:s11], [sflag:$0x2], $0x8000, $0x38;
	[tilespmem:$0x10400] =	vst v63  }
0x42: {  	_ =	swait.ge [sflag:s3], $0x8000  }
0x43: {  	s24 =	sadd.s32 $0xFFFFFFFF, s31;
	[sflag:s3] =	ssyncset.done $0x0  }
.LBB2_1:
0x44: {  	p0 =	sne.s32 s24, $0x1;
	s24 =	sadd.s32 $0xFFFFFFFF, s24;
	[sflag:s3] =	ssyncadd.s32 $0xFFFF8000  }
0x45: {  	[tilespmem:s2], [sflag:$0x2] =	stream.linear.gather [hbm4b:s4+s2], $0x200, $0x38;
	[tilespmem:$0x10400] =	vst v63  }
0x46: {  	_ =	swait.ge [sflag:s3], $0x200  }
0x47: {  	[sflag:s3] =	ssyncset.done $0x0  }
0x48: {  	[sflag:s3] =	ssyncadd.s32 $0xFFFFFE00  }
0x49: {  	[tilespmem:s6], [sflag:$0x2] =	stream.linear.gather [hbm4b:s5+s2], $0x200, $0x38;
	[tilespmem:$0x10400] =	vst v63  }
0x4a: {  	_ =	swait.ge [sflag:s3], $0x200  }
0x4b: {  	[sflag:s3] =	ssyncset.done $0x0  }
0x4c: {  	[sflag:s3] =	ssyncadd.s32 $0xFFFFFE00  }
0x4d: {  	[tilespmem:s9], [sflag:$0x1] =	stream.indirect.gather [hbm4b:s7+s8], $0x80, s2, s8, $0xb8;
	[tilespmem:$0x10400] =	vst v63  }
0x4e: {  	_ = 	snop  }
0x4f: {  	[tilespmem:s11], [sflag:$0x1] =	stream.indirect.gather [hbm4b:s10+s8], $0x80, s6, s8, $0xb8;
	[tilespmem:$0x10400] =	vst v63  }
0x50: {  	_ = 	snop  }
0x51: {  	[tilespmem:s12], [sflag:$0x1] =	stream.indirect.gather [hbm4b:s7+s8], $0x80, s8, s8, $0xb8;
	[tilespmem:$0x10400] =	vst v63  }
0x52: {  	_ = 	snop  }
0x53: {  	[tilespmem:s14], [sflag:$0x1] =	stream.indirect.gather [hbm4b:s10+s8], $0x80, s13, s8, $0xb8;
	[tilespmem:$0x10400] =	vst v63  }
0x54: {  	_ =	swait.ge [sflag:s15], $0x4000  }
0x55: {  	[sflag:s15] =	ssyncset.done $0x0  }
0x56: {  	[sflag:s15] =	ssyncadd.s32 $0xFFFFC000  }
0x57: {  	_ =	swait.ge [sflag:s15], $0x4000  }
0x58: {  	[sflag:s15] =	ssyncset.done $0x0  }
0x59: {  	[sflag:s15] =	ssyncadd.s32 $0xFFFFC000  }
0x5a: {  	_ =	swait.ge [sflag:s15], $0x4000  }
0x5b: {  	[sflag:s15] =	ssyncset.done $0x0  }
0x5c: {  	[sflag:s15] =	ssyncadd.s32 $0xFFFFC000  }
0x5d: {  	_ =	swait.ge [sflag:s15], $0x4000  }
0x5e: {  	[sflag:s15] =	ssyncset.done $0x0  }
0x5f: {  	[sflag:s15] =	ssyncadd.s32 $0xFFFFC000  }
0x60: {  	[hbm4b:s16+s2] =	stream.linear.scatter [tilespmem:s9], [sflag:$0x2], $0x8000, $0x38;
	[tilespmem:$0x10400] =	vst v63  }
0x61: {  	_ =	swait.ge [sflag:s3], $0x8000  }
0x62: {  	[sflag:s3] =	ssyncset.done $0x0  }
0x63: {  	[sflag:s3] =	ssyncadd.s32 $0xFFFF8000  }
0x64: {  	[hbm4b:s17+s2] =	stream.linear.scatter [tilespmem:s11], [sflag:$0x2], $0x8000, $0x38;
	[tilespmem:$0x10400] =	vst v63  }
0x65: {  	_ =	swait.ge [sflag:s3], $0x8000  }
0x66: {  	[sflag:s3] =	ssyncset.done $0x0  }
0x67: {  	[sflag:s3] =	ssyncadd.s32 $0xFFFF8000  }
0x68: {  	[tilespmem:s9], [sflag:$0x1] =	stream.indirect.gather [hbm4b:s7+s8], $0x80, s18, s8, $0xb8;
	[tilespmem:$0x10400] =	vst v63  }
0x69: {  	_ = 	snop  }
0x6a: {  	[tilespmem:s11], [sflag:$0x1] =	stream.indirect.gather [hbm4b:s10+s8], $0x80, s19, s8, $0xb8;
	[tilespmem:$0x10400] =	vst v63  }
0x6b: {  	_ = 	snop  }
0x6c: {  	[tilespmem:s12], [sflag:$0x1] =	stream.indirect.gather [hbm4b:s7+s8], $0x80, s20, s8, $0xb8;
	[tilespmem:$0x10400] =	vst v63  }
0x6d: {  	_ = 	snop  }
0x6e: {  	[tilespmem:s14], [sflag:$0x1] =	stream.indirect.gather [hbm4b:s10+s8], $0x80, s21, s8, $0xb8;
	[tilespmem:$0x10400] =	vst v63  }
0x6f: {  	_ =	swait.ge [sflag:s15], $0x4000  }
0x70: {  	[sflag:s15] =	ssyncset.done $0x0  }
0x71: {  	[sflag:s15] =	ssyncadd.s32 $0xFFFFC000  }
0x72: {  	_ =	swait.ge [sflag:s15], $0x4000  }
0x73: {  	[sflag:s15] =	ssyncset.done $0x0  }
0x74: {  	[sflag:s15] =	ssyncadd.s32 $0xFFFFC000  }
0x75: {  	_ =	swait.ge [sflag:s15], $0x4000  }
0x76: {  	[sflag:s15] =	ssyncset.done $0x0  }
0x77: {  	[sflag:s15] =	ssyncadd.s32 $0xFFFFC000  }
0x78: {  	_ =	swait.ge [sflag:s15], $0x4000  }
0x79: {  	[sflag:s15] =	ssyncset.done $0x0  }
0x7a: {  	[sflag:s15] =	ssyncadd.s32 $0xFFFFC000  }
0x7b: {  	[hbm4b:s22+s2] =	stream.linear.scatter [tilespmem:s9], [sflag:$0x2], $0x8000, $0x38;
	[tilespmem:$0x10400] =	vst v63  }
0x7c: {  	_ =	swait.ge [sflag:s3], $0x8000  }
.Ltmp1:
0x7d: {  	[sflag:s3] =	ssyncset.done $0x0;
	(pc) =	sbr.rel @p0 .LBB2_1-.Ltmp1, $4  }
0x7e: {  	[sflag:s3] =	ssyncadd.s32 $0xFFFF8000  }
0x7f: {  	[hbm4b:s23+s2] =	stream.linear.scatter [tilespmem:s11], [sflag:$0x2], $0x8000, $0x38;
	[tilespmem:$0x10400] =	vst v63  }
0x80: {  	_ =	swait.ge [sflag:s3], $0x8000  }
0x81: {  	[sflag:s3] =	ssyncset.done $0x0  }
.LBB2_2:
0x82: {  	[sflag:s3] =	ssyncadd.s32 $0xFFFF8000  }
0x83: {  	_ =	sfence.sel $0x180000  }
0x84: {  	[bflag:$0x0] =	sbarrier.arrive $0xFFFF  }
0x85: {  	p0 =	sne.s32 s0, $0x0;
	_ =	strace $0x90000047  }
0x86: {  	s0 =	sadd.s32 @!p0 $0x100000, s1;
	[bflag:$0x2] =	sbarrier.arrive $0xFFFF  }
0x87: {  	[sflag:s0] =	ssyncadd.tile.s32 @!p0 $0x1;
	_ =	shalt  }
.Lfunc_end2:
_tile_overlayer_lowered:
.L_overlay_start_2:
0x88: {  	(tag) =	ssettag $0x2  }
0x89: {  	s0 =	rddreg [dreg:$0x0];
	s2 =	stileid.u32  }
0x8a: {  	s1 =	rddreg [dreg:$0x1];
	p0 =	sne.s32 s2, $0x0  }
0x8b: {  	s3 =	rddreg [dreg:$0x2];
	[bflag:$0x3] =	sbarrier.arrive $0xFFFF;
	s2 =	simm.s32 @!p0 $0x1C02  }
0x8c: {  	[timem:s3], [sflag:s2] =	dma.local @!p0 [hbm:s0], s1  }
0x8d: {  	s0 =	simm.s32 @!p0 $0x2  }
0x8e: {  	_ =	swait.ge @!p0 [sflag:s0], s1  }
0x8f: {  	s1 =	ssub.s32 @!p0 $0x0, s1;
	[sflag:s0] =	ssyncset.done @!p0 $0x0  }
0x90: {  	[sflag:s0] =	ssyncadd.s32 @!p0 s1  }
0x91: {  	[bflag:$0x3] =	sbarrier.arrive $0xFFFF  }
0x92: {  	_ =	shalt  }

</sc_bundles>
